<compile_context>
chip_gen: v7x
topology: tpu7x:2x2x1
jax: 0.10.2.dev20260603
libtpu: 0.0.44.dev20260713+nightly
codegen_flags: <defaults>
</compile_context>

<pallas_src>
import jax
import jax.numpy as jnp
from jax import lax
from jax.experimental import pallas as pl
from jax.experimental.pallas import tpu as pltpu
from jax.experimental.pallas import tpu_sc as plsc

_B, _S, _D = 4, 2048, 768
_TC_B = 3
_NC, _NS = 2, 16
_NW = _NC * _NS
_ROWS_PER_W = _S // _NW
_K = 32
_NV = _D // 16


def _tc_add(x_ref, p_ref, o_ref):
    o_ref[...] = x_ref[...] + p_ref[...][None, :, :]


def _tc_part(inputs, pos_table):
    return pl.pallas_call(
        _tc_add,
        grid=(_TC_B,),
        in_specs=[
            pl.BlockSpec((1, _S, _D), lambda b: (b, 0, 0)),
            pl.BlockSpec((_S, _D), lambda b: (0, 0)),
        ],
        out_specs=pl.BlockSpec((1, _S, _D), lambda b: (b, 0, 0)),
        out_shape=jax.ShapeDtypeStruct((_TC_B, _S, _D), inputs.dtype),
        compiler_params=pltpu.CompilerParams(
            dimension_semantics=("parallel",),
        ),
    )(inputs, pos_table)


def _sc_body(x_hbm, pos_hbm, out_hbm, p_buf0, p_buf1, x_buf0, x_buf1,
             sem_x0, sem_x1):
    w = lax.axis_index("s") * _NC + lax.axis_index("c")
    base = w * _ROWS_PER_W

    p_bufs = (p_buf0, p_buf1)
    x_bufs = (x_buf0, x_buf1)
    sems_x = (sem_x0, sem_x1)

    pltpu.sync_copy(pos_hbm.at[pl.ds(base, _K)], p_buf0)
    pltpu.sync_copy(pos_hbm.at[pl.ds(base + _K, _K)], p_buf1)

    seq = [(c, b) for c in range(2) for b in range(_TC_B, _B)]

    def start_load(g):
        c, b = seq[g]
        return pltpu.async_copy(
            x_hbm.at[b, pl.ds(base + c * _K, _K)], x_bufs[g % 2], sems_x[g % 2]
        )

    pending = start_load(0)
    for g, (c, b) in enumerate(seq):
        cur_copy = pending
        if g + 1 < len(seq):
            pending = start_load(g + 1)
        cur_copy.wait()

        p_buf = p_bufs[c]
        x_buf = x_bufs[g % 2]

        def add_row(r, _, x_buf=x_buf, p_buf=p_buf):
            for j in range(_NV):
                x_buf[r, pl.ds(j * 16, 16)] = (
                    x_buf[r, pl.ds(j * 16, 16)] + p_buf[r, pl.ds(j * 16, 16)]
                )
            return 0

        lax.fori_loop(0, _K, add_row, 0)
        pltpu.sync_copy(x_buf, out_hbm.at[b - _TC_B, pl.ds(base + c * _K, _K)])


def _sc_part(inputs, pos_table):
    return pl.kernel(
        _sc_body,
        out_type=jax.ShapeDtypeStruct((_B - _TC_B, _S, _D), jnp.float32),
        mesh=plsc.VectorSubcoreMesh(core_axis_name="c", subcore_axis_name="s"),
        scratch_types=[
            pltpu.VMEM((_K, _D), jnp.float32),
            pltpu.VMEM((_K, _D), jnp.float32),
            pltpu.VMEM((_K, _D), jnp.float32),
            pltpu.VMEM((_K, _D), jnp.float32),
            pltpu.SemaphoreType.DMA,
            pltpu.SemaphoreType.DMA,
        ],
    )(inputs, pos_table)


def kernel(inputs, pos_table):
    tc_out = _tc_part(inputs, pos_table)
    sc_out = _sc_part(inputs, pos_table)
    return jnp.concatenate([tc_out, sc_out], axis=0)

# --- scband reference (transcript-rebuilt; emitter-appended) ---
"""Pipeline reference for scband-positional-embedding-64828236366338 (READ-ONLY COPY).

The authoritative reference and input builder live on the scoring server;
editing this copy changes nothing except your own understanding.
"""

import jax, jax.numpy as jnp
import numpy as np

EMBEDDING_DIM = 768
MAX_POSITION = 2048
BATCH = 4
SEQ_LEN = 2048

def setup_inputs(seed: int = 0) -> dict:
    key = jax.random.key(seed)
    k1, k2 = jax.random.split(key)
    inputs = jax.random.normal(k1, (BATCH, SEQ_LEN, EMBEDDING_DIM), dtype=jnp.float32)
    # nn.Embedding default init: N(0, 1)
    pos_table = jax.random.normal(k2, (MAX_POSITION, EMBEDDING_DIM), dtype=jnp.float32)
    return {"inputs": inputs, "pos_table": pos_table}

def reference(inputs, pos_table):
    seq_length = inputs.shape[1]
    position_ids = jnp.arange(seq_length, dtype=jnp.int32)
    position_embeddings = jnp.take(pos_table, position_ids, axis=0)
    return inputs + position_embeddings

if __name__ == "__main__":
    import jax
    _d = setup_inputs()
    print(jax.jit(kernel)(*tuple(_d.values())))

</pallas_src>

<mosaic_0001>
#map = affine_map<(d0, d1) -> (0, 0, 0)>
#map1 = affine_map<(d0, d1) -> (0, 0)>
module attributes {stable_mosaic.version = 14 : i64} {
  func.func @_sc_body(%arg0: i32, %arg1: i32, %arg2: memref<4x2048x768xf32, #tpu.memory_space<hbm>>, %arg3: memref<2048x768xf32, #tpu.memory_space<hbm>>, %arg4: memref<1x2048x768xf32, #tpu.memory_space<hbm>>, %arg5: memref<32x768xf32, #tpu.memory_space<vmem>>, %arg6: memref<32x768xf32, #tpu.memory_space<vmem>>, %arg7: memref<32x768xf32, #tpu.memory_space<vmem>>, %arg8: memref<32x768xf32, #tpu.memory_space<vmem>>, %arg9: memref<!tpu.dma_semaphore, #tpu.memory_space<semaphore_mem>>, %arg10: memref<!tpu.dma_semaphore, #tpu.memory_space<semaphore_mem>>) attributes {dimension_semantics = [#tpu.dimension_semantics<core_parallel>, #tpu.dimension_semantics<subcore_parallel>], iteration_bounds = array<i64: 2, 16>, scalar_prefetch = 0 : i64, scratch_operands = 6 : i64, tpu.core_type = #tpu.core_type<sc_vector_subcore>, window_params = [{transform_indices = #map}, {transform_indices = #map1}, {transform_indices = #map}]} {
    %mul3A = arith.constant 2 : i32
    %mul3A_0 = arith.muli %arg1, %mul3A : i32
    %add3A = arith.addi %mul3A_0, %arg0 : i32
    %mul3A_1 = arith.constant 64 : i32
    %mul3A_2 = arith.muli %add3A, %mul3A_1 : i32
    "tpu.region"() ({
      %run_scoped3A_53 = tpu.sem_alloc : memref<!tpu.dma_semaphore, #tpu.memory_space<semaphore_mem>>
      %dma_start3A_54 = arith.constant 0 : i32
      %dma_start3A_55 = tpu.memref_slice %arg3[%mul3A_2, %dma_start3A_54] : memref<2048x768xf32, #tpu.memory_space<hbm>> -> memref<32x768xf32, #tpu.memory_space<hbm>>
      %dma_start3A_56 = arith.constant 0 : i32
      %dma_start3A_57 = tpu.memref_slice %arg3[%mul3A_2, %dma_start3A_56] : memref<2048x768xf32, #tpu.memory_space<hbm>> -> memref<32x768xf32, #tpu.memory_space<hbm>>
      tpu.enqueue_dma source(%dma_start3A_57 : memref<32x768xf32, #tpu.memory_space<hbm>>) target(%arg5 : memref<32x768xf32, #tpu.memory_space<vmem>>) target_semaphore(%run_scoped3A_53 : memref<!tpu.dma_semaphore, #tpu.memory_space<semaphore_mem>>)
      %dma_wait3A_58 = arith.constant 0 : i32
      %dma_wait3A_59 = tpu.memref_slice %arg3[%mul3A_2, %dma_wait3A_58] : memref<2048x768xf32, #tpu.memory_space<hbm>> -> memref<32x768xf32, #tpu.memory_space<hbm>>
      %dma_wait3A_60 = arith.constant 0 : i32
      %dma_wait3A_61 = tpu.memref_slice %arg3[%mul3A_2, %dma_wait3A_60] : memref<2048x768xf32, #tpu.memory_space<hbm>> -> memref<32x768xf32, #tpu.memory_space<hbm>>
      tpu.wait_dma2 semaphore(%run_scoped3A_53 : memref<!tpu.dma_semaphore, #tpu.memory_space<semaphore_mem>>) src(%dma_wait3A_61 : memref<32x768xf32, #tpu.memory_space<hbm>>) dst(%arg5 : memref<32x768xf32, #tpu.memory_space<vmem>>)
      tpu.yield
    }) : () -> ()
    %add3A_3 = arith.constant 32 : i32
    %add3A_4 = arith.addi %mul3A_2, %add3A_3 : i32
    "tpu.region"() ({
      %run_scoped3A_53 = tpu.sem_alloc : memref<!tpu.dma_semaphore, #tpu.memory_space<semaphore_mem>>
      %dma_start3A_54 = arith.constant 0 : i32
      %dma_start3A_55 = tpu.memref_slice %arg3[%add3A_4, %dma_start3A_54] : memref<2048x768xf32, #tpu.memory_space<hbm>> -> memref<32x768xf32, #tpu.memory_space<hbm>>
      %dma_start3A_56 = arith.constant 0 : i32
      %dma_start3A_57 = tpu.memref_slice %arg3[%add3A_4, %dma_start3A_56] : memref<2048x768xf32, #tpu.memory_space<hbm>> -> memref<32x768xf32, #tpu.memory_space<hbm>>
      tpu.enqueue_dma source(%dma_start3A_57 : memref<32x768xf32, #tpu.memory_space<hbm>>) target(%arg6 : memref<32x768xf32, #tpu.memory_space<vmem>>) target_semaphore(%run_scoped3A_53 : memref<!tpu.dma_semaphore, #tpu.memory_space<semaphore_mem>>)
      %dma_wait3A_58 = arith.constant 0 : i32
      %dma_wait3A_59 = tpu.memref_slice %arg3[%add3A_4, %dma_wait3A_58] : memref<2048x768xf32, #tpu.memory_space<hbm>> -> memref<32x768xf32, #tpu.memory_space<hbm>>
      %dma_wait3A_60 = arith.constant 0 : i32
      %dma_wait3A_61 = tpu.memref_slice %arg3[%add3A_4, %dma_wait3A_60] : memref<2048x768xf32, #tpu.memory_space<hbm>> -> memref<32x768xf32, #tpu.memory_space<hbm>>
      tpu.wait_dma2 semaphore(%run_scoped3A_53 : memref<!tpu.dma_semaphore, #tpu.memory_space<semaphore_mem>>) src(%dma_wait3A_61 : memref<32x768xf32, #tpu.memory_space<hbm>>) dst(%arg6 : memref<32x768xf32, #tpu.memory_space<vmem>>)
      tpu.yield
    }) : () -> ()
    %add3A_5 = arith.constant 0 : i32
    %add3A_6 = arith.addi %mul3A_2, %add3A_5 : i32
    %dma_start3A = arith.constant 3 : i32
    %dma_start3A_7 = arith.constant 0 : i32
    %dma_start3A_8 = tpu.memref_slice %arg2[%dma_start3A, %add3A_6, %dma_start3A_7] : memref<4x2048x768xf32, #tpu.memory_space<hbm>> -> memref<1x32x768xf32, #tpu.memory_space<hbm>>
    %dma_start3A_9 = tpu.memref_squeeze %dma_start3A_8 : memref<1x32x768xf32, #tpu.memory_space<hbm>> -> memref<32x768xf32, #tpu.memory_space<hbm>>
    %dma_start3A_10 = arith.constant 0 : i32
    %dma_start3A_11 = tpu.memref_slice %arg2[%dma_start3A, %add3A_6, %dma_start3A_10] : memref<4x2048x768xf32, #tpu.memory_space<hbm>> -> memref<1x32x768xf32, #tpu.memory_space<hbm>>
    %dma_start3A_12 = tpu.memref_squeeze %dma_start3A_11 : memref<1x32x768xf32, #tpu.memory_space<hbm>> -> memref<32x768xf32, #tpu.memory_space<hbm>>
    tpu.enqueue_dma source(%dma_start3A_12 : memref<32x768xf32, #tpu.memory_space<hbm>>) target(%arg7 : memref<32x768xf32, #tpu.memory_space<vmem>>) target_semaphore(%arg9 : memref<!tpu.dma_semaphore, #tpu.memory_space<semaphore_mem>>)
    %add3A_13 = arith.constant 32 : i32
    %add3A_14 = arith.addi %mul3A_2, %add3A_13 : i32
    %dma_start3A_15 = arith.constant 3 : i32
    %dma_start3A_16 = arith.constant 0 : i32
    %dma_start3A_17 = tpu.memref_slice %arg2[%dma_start3A_15, %add3A_14, %dma_start3A_16] : memref<4x2048x768xf32, #tpu.memory_space<hbm>> -> memref<1x32x768xf32, #tpu.memory_space<hbm>>
    %dma_start3A_18 = tpu.memref_squeeze %dma_start3A_17 : memref<1x32x768xf32, #tpu.memory_space<hbm>> -> memref<32x768xf32, #tpu.memory_space<hbm>>
    %dma_start3A_19 = arith.constant 0 : i32
    %dma_start3A_20 = tpu.memref_slice %arg2[%dma_start3A_15, %add3A_14, %dma_start3A_19] : memref<4x2048x768xf32, #tpu.memory_space<hbm>> -> memref<1x32x768xf32, #tpu.memory_space<hbm>>
    %dma_start3A_21 = tpu.memref_squeeze %dma_start3A_20 : memref<1x32x768xf32, #tpu.memory_space<hbm>> -> memref<32x768xf32, #tpu.memory_space<hbm>>
    tpu.enqueue_dma source(%dma_start3A_21 : memref<32x768xf32, #tpu.memory_space<hbm>>) target(%arg8 : memref<32x768xf32, #tpu.memory_space<vmem>>) target_semaphore(%arg10 : memref<!tpu.dma_semaphore, #tpu.memory_space<semaphore_mem>>)
    %dma_wait3A = arith.constant 3 : i32
    %dma_wait3A_22 = arith.constant 0 : i32
    %dma_wait3A_23 = tpu.memref_slice %arg2[%dma_wait3A, %add3A_6, %dma_wait3A_22] : memref<4x2048x768xf32, #tpu.memory_space<hbm>> -> memref<1x32x768xf32, #tpu.memory_space<hbm>>
    %dma_wait3A_24 = tpu.memref_squeeze %dma_wait3A_23 : memref<1x32x768xf32, #tpu.memory_space<hbm>> -> memref<32x768xf32, #tpu.memory_space<hbm>>
    %dma_wait3A_25 = arith.constant 0 : i32
    %dma_wait3A_26 = tpu.memref_slice %arg2[%dma_wait3A, %add3A_6, %dma_wait3A_25] : memref<4x2048x768xf32, #tpu.memory_space<hbm>> -> memref<1x32x768xf32, #tpu.memory_space<hbm>>
    %dma_wait3A_27 = tpu.memref_squeeze %dma_wait3A_26 : memref<1x32x768xf32, #tpu.memory_space<hbm>> -> memref<32x768xf32, #tpu.memory_space<hbm>>
    tpu.wait_dma2 semaphore(%arg9 : memref<!tpu.dma_semaphore, #tpu.memory_space<semaphore_mem>>) src(%dma_wait3A_27 : memref<32x768xf32, #tpu.memory_space<hbm>>) dst(%arg7 : memref<32x768xf32, #tpu.memory_space<vmem>>)
    %scan3A = arith.constant 0 : i32
    %scan3A_28 = arith.constant 0 : i32
    %scan3A_29 = arith.constant 32 : i32
    %scan3A_30 = arith.addi %scan3A_28, %scan3A_29 : i32
    %scan3A_31 = arith.constant 1 : i32
    %scan3A_32 = scf.for %scan3A_53 = %scan3A_28 to %scan3A_30 step %scan3A_31 iter_args(%scan3A_54 = %scan3A) -> (i32)  : i32 {
      %get3A = arith.index_cast %scan3A_53 : i32 to index
      %get3A_55 = arith.constant 0 : index
      %get3A_56 = tpu.vector_load %arg7[%get3A, %get3A_55] {strides = array<i32>} : memref<32x768xf32, #tpu.memory_space<vmem>>, vector<1x16xf32>,
      %get3A_57 = vector.shape_cast %get3A_56 : vector<1x16xf32> to vector<16xf32>
      %get3A_58 = arith.index_cast %scan3A_53 : i32 to index
      %get3A_59 = arith.constant 0 : index
      %get3A_60 = tpu.vector_load %arg5[%get3A_58, %get3A_59] {strides = array<i32>} : memref<32x768xf32, #tpu.memory_space<vmem>>, vector<1x16xf32>,
      %get3A_61 = vector.shape_cast %get3A_60 : vector<1x16xf32> to vector<16xf32>
      %add3A_62 = arith.addf %get3A_57, %get3A_61 : vector<16xf32>
      %swap3A = arith.index_cast %scan3A_53 : i32 to index
      %swap3A_63 = arith.constant 0 : index
      %swap3A_64 = tpu.vector_load %arg7[%swap3A, %swap3A_63] {strides = array<i32>} : memref<32x768xf32, #tpu.memory_space<vmem>>, vector<1x16xf32>,
      %swap3A_65 = vector.shape_cast %swap3A_64 : vector<1x16xf32> to vector<16xf32>
      %swap3A_66 = vector.shape_cast %add3A_62 : vector<16xf32> to vector<1x16xf32>
      tpu.vector_store %arg7[%swap3A, %swap3A_63], %swap3A_66 {strides = array<i32>} : memref<32x768xf32, #tpu.memory_space<vmem>>, vector<1x16xf32>,
      %get3A_67 = arith.index_cast %scan3A_53 : i32 to index
      %get3A_68 = arith.constant 16 : index
      %get3A_69 = tpu.vector_load %arg7[%get3A_67, %get3A_68] {strides = array<i32>} : memref<32x768xf32, #tpu.memory_space<vmem>>, vector<1x16xf32>,
      %get3A_70 = vector.shape_cast %get3A_69 : vector<1x16xf32> to vector<16xf32>
      %get3A_71 = arith.index_cast %scan3A_53 : i32 to index
      %get3A_72 = arith.constant 16 : index
      %get3A_73 = tpu.vector_load %arg5[%get3A_71, %get3A_72] {strides = array<i32>} : memref<32x768xf32, #tpu.memory_space<vmem>>, vector<1x16xf32>,
      %get3A_74 = vector.shape_cast %get3A_73 : vector<1x16xf32> to vector<16xf32>
      %add3A_75 = arith.addf %get3A_70, %get3A_74 : vector<16xf32>
      %swap3A_76 = arith.index_cast %scan3A_53 : i32 to index
      %swap3A_77 = arith.constant 16 : index
      %swap3A_78 = tpu.vector_load %arg7[%swap3A_76, %swap3A_77] {strides = array<i32>} : memref<32x768xf32, #tpu.memory_space<vmem>>, vector<1x16xf32>,
      %swap3A_79 = vector.shape_cast %swap3A_78 : vector<1x16xf32> to vector<16xf32>
      %swap3A_80 = vector.shape_cast %add3A_75 : vector<16xf32> to vector<1x16xf32>
      tpu.vector_store %arg7[%swap3A_76, %swap3A_77], %swap3A_80 {strides = array<i32>} : memref<32x768xf32, #tpu.memory_space<vmem>>, vector<1x16xf32>,
      %get3A_81 = arith.index_cast %scan3A_53 : i32 to index
      %get3A_82 = arith.constant 32 : index
      %get3A_83 = tpu.vector_load %arg7[%get3A_81, %get3A_82] {strides = array<i32>} : memref<32x768xf32, #tpu.memory_space<vmem>>, vector<1x16xf32>,
      %get3A_84 = vector.shape_cast %get3A_83 : vector<1x16xf32> to vector<16xf32>
      %get3A_85 = arith.index_cast %scan3A_53 : i32 to index
      %get3A_86 = arith.constant 32 : index
      %get3A_87 = tpu.vector_load %arg5[%get3A_85, %get3A_86] {strides = array<i32>} : memref<32x768xf32, #tpu.memory_space<vmem>>, vector<1x16xf32>,
      %get3A_88 = vector.shape_cast %get3A_87 : vector<1x16xf32> to vector<16xf32>
      %add3A_89 = arith.addf %get3A_84, %get3A_88 : vector<16xf32>
      %swap3A_90 = arith.index_cast %scan3A_53 : i32 to index
      %swap3A_91 = arith.constant 32 : index
      %swap3A_92 = tpu.vector_load %arg7[%swap3A_90, %swap3A_91] {strides = array<i32>} : memref<32x768xf32, #tpu.memory_space<vmem>>, vector<1x16xf32>,
      %swap3A_93 = vector.shape_cast %swap3A_92 : vector<1x16xf32> to vector<16xf32>
      %swap3A_94 = vector.shape_cast %add3A_89 : vector<16xf32> to vector<1x16xf32>
      tpu.vector_store %arg7[%swap3A_90, %swap3A_91], %swap3A_94 {strides = array<i32>} : memref<32x768xf32, #tpu.memory_space<vmem>>, vector<1x16xf32>,
      %get3A_95 = arith.index_cast %scan3A_53 : i32 to index
      %get3A_96 = arith.constant 48 : index
      %get3A_97 = tpu.vector_load %arg7[%get3A_95, %get3A_96] {strides = array<i32>} : memref<32x768xf32, #tpu.memory_space<vmem>>, vector<1x16xf32>,
      %get3A_98 = vector.shape_cast %get3A_97 : vector<1x16xf32> to vector<16xf32>
      %get3A_99 = arith.index_cast %scan3A_53 : i32 to index
      %get3A_100 = arith.constant 48 : index
      %get3A_101 = tpu.vector_load %arg5[%get3A_99, %get3A_100] {strides = array<i32>} : memref<32x768xf32, #tpu.memory_space<vmem>>, vector<1x16xf32>,
      %get3A_102 = vector.shape_cast %get3A_101 : vector<1x16xf32> to vector<16xf32>
      %add3A_103 = arith.addf %get3A_98, %get3A_102 : vector<16xf32>
      %swap3A_104 = arith.index_cast %scan3A_53 : i32 to index
      %swap3A_105 = arith.constant 48 : index
      %swap3A_106 = tpu.vector_load %arg7[%swap3A_104, %swap3A_105] {strides = array<i32>} : memref<32x768xf32, #tpu.memory_space<vmem>>, vector<1x16xf32>,
      %swap3A_107 = vector.shape_cast %swap3A_106 : vector<1x16xf32> to vector<16xf32>
      %swap3A_108 = vector.shape_cast %add3A_103 : vector<16xf32> to vector<1x16xf32>
      tpu.vector_store %arg7[%swap3A_104, %swap3A_105], %swap3A_108 {strides = array<i32>} : memref<32x768xf32, #tpu.memory_space<vmem>>, vector<1x16xf32>,
      %get3A_109 = arith.index_cast %scan3A_53 : i32 to index
      %get3A_110 = arith.constant 64 : index
      %get3A_111 = tpu.vector_load %arg7[%get3A_109, %get3A_110] {strides = array<i32>} : memref<32x768xf32, #tpu.memory_space<vmem>>, vector<1x16xf32>,
      %get3A_112 = vector.shape_cast %get3A_111 : vector<1x16xf32> to vector<16xf32>
      %get3A_113 = arith.index_cast %scan3A_53 : i32 to index
      %get3A_114 = arith.constant 64 : index
      %get3A_115 = tpu.vector_load %arg5[%get3A_113, %get3A_114] {strides = array<i32>} : memref<32x768xf32, #tpu.memory_space<vmem>>, vector<1x16xf32>,
      %get3A_116 = vector.shape_cast %get3A_115 : vector<1x16xf32> to vector<16xf32>
      %add3A_117 = arith.addf %get3A_112, %get3A_116 : vector<16xf32>
      %swap3A_118 = arith.index_cast %scan3A_53 : i32 to index
      %swap3A_119 = arith.constant 64 : index
      %swap3A_120 = tpu.vector_load %arg7[%swap3A_118, %swap3A_119] {strides = array<i32>} : memref<32x768xf32, #tpu.memory_space<vmem>>, vector<1x16xf32>,
      %swap3A_121 = vector.shape_cast %swap3A_120 : vector<1x16xf32> to vector<16xf32>
      %swap3A_122 = vector.shape_cast %add3A_117 : vector<16xf32> to vector<1x16xf32>
      tpu.vector_store %arg7[%swap3A_118, %swap3A_119], %swap3A_122 {strides = array<i32>} : memref<32x768xf32, #tpu.memory_space<vmem>>, vector<1x16xf32>,
      %get3A_123 = arith.index_cast %scan3A_53 : i32 to index
      %get3A_124 = arith.constant 80 : index
      %get3A_125 = tpu.vector_load %arg7[%get3A_123, %get3A_124] {strides = array<i32>} : memref<32x768xf32, #tpu.memory_space<vmem>>, vector<1x16xf32>,
      %get3A_126 = vector.shape_cast %get3A_125 : vector<1x16xf32> to vector<16xf32>
      %get3A_127 = arith.index_cast %scan3A_53 : i32 to index
      %get3A_128 = arith.constant 80 : index
      %get3A_129 = tpu.vector_load %arg5[%get3A_127, %get3A_128] {strides = array<i32>} : memref<32x768xf32, #tpu.memory_space<vmem>>, vector<1x16xf32>,
      %get3A_130 = vector.shape_cast %get3A_129 : vector<1x16xf32> to vector<16xf32>
      %add3A_131 = arith.addf %get3A_126, %get3A_130 : vector<16xf32>
      %swap3A_132 = arith.index_cast %scan3A_53 : i32 to index
      %swap3A_133 = arith.constant 80 : index
      %swap3A_134 = tpu.vector_load %arg7[%swap3A_132, %swap3A_133] {strides = array<i32>} : memref<32x768xf32, #tpu.memory_space<vmem>>, vector<1x16xf32>,
      %swap3A_135 = vector.shape_cast %swap3A_134 : vector<1x16xf32> to vector<16xf32>
      %swap3A_136 = vector.shape_cast %add3A_131 : vector<16xf32> to vector<1x16xf32>
      tpu.vector_store %arg7[%swap3A_132, %swap3A_133], %swap3A_136 {strides = array<i32>} : memref<32x768xf32, #tpu.memory_space<vmem>>, vector<1x16xf32>,
      %get3A_137 = arith.index_cast %scan3A_53 : i32 to index
      %get3A_138 = arith.constant 96 : index
      %get3A_139 = tpu.vector_load %arg7[%get3A_137, %get3A_138] {strides = array<i32>} : memref<32x768xf32, #tpu.memory_space<vmem>>, vector<1x16xf32>,
      %get3A_140 = vector.shape_cast %get3A_139 : vector<1x16xf32> to vector<16xf32>
      %get3A_141 = arith.index_cast %scan3A_53 : i32 to index
      %get3A_142 = arith.constant 96 : index
      %get3A_143 = tpu.vector_load %arg5[%get3A_141, %get3A_142] {strides = array<i32>} : memref<32x768xf32, #tpu.memory_space<vmem>>, vector<1x16xf32>,
      %get3A_144 = vector.shape_cast %get3A_143 : vector<1x16xf32> to vector<16xf32>
      %add3A_145 = arith.addf %get3A_140, %get3A_144 : vector<16xf32>
      %swap3A_146 = arith.index_cast %scan3A_53 : i32 to index
      %swap3A_147 = arith.constant 96 : index
      %swap3A_148 = tpu.vector_load %arg7[%swap3A_146, %swap3A_147] {strides = array<i32>} : memref<32x768xf32, #tpu.memory_space<vmem>>, vector<1x16xf32>,
      %swap3A_149 = vector.shape_cast %swap3A_148 : vector<1x16xf32> to vector<16xf32>
      %swap3A_150 = vector.shape_cast %add3A_145 : vector<16xf32> to vector<1x16xf32>
      tpu.vector_store %arg7[%swap3A_146, %swap3A_147], %swap3A_150 {strides = array<i32>} : memref<32x768xf32, #tpu.memory_space<vmem>>, vector<1x16xf32>,
      %get3A_151 = arith.index_cast %scan3A_53 : i32 to index
      %get3A_152 = arith.constant 112 : index
      %get3A_153 = tpu.vector_load %arg7[%get3A_151, %get3A_152] {strides = array<i32>} : memref<32x768xf32, #tpu.memory_space<vmem>>, vector<1x16xf32>,
      %get3A_154 = vector.shape_cast %get3A_153 : vector<1x16xf32> to vector<16xf32>
      %get3A_155 = arith.index_cast %scan3A_53 : i32 to index
      %get3A_156 = arith.constant 112 : index
      %get3A_157 = tpu.vector_load %arg5[%get3A_155, %get3A_156] {strides = array<i32>} : memref<32x768xf32, #tpu.memory_space<vmem>>, vector<1x16xf32>,
      %get3A_158 = vector.shape_cast %get3A_157 : vector<1x16xf32> to vector<16xf32>
      %add3A_159 = arith.addf %get3A_154, %get3A_158 : vector<16xf32>
      %swap3A_160 = arith.index_cast %scan3A_53 : i32 to index
      %swap3A_161 = arith.constant 112 : index
      %swap3A_162 = tpu.vector_load %arg7[%swap3A_160, %swap3A_161] {strides = array<i32>} : memref<32x768xf32, #tpu.memory_space<vmem>>, vector<1x16xf32>,
      %swap3A_163 = vector.shape_cast %swap3A_162 : vector<1x16xf32> to vector<16xf32>
      %swap3A_164 = vector.shape_cast %add3A_159 : vector<16xf32> to vector<1x16xf32>
      tpu.vector_store %arg7[%swap3A_160, %swap3A_161], %swap3A_164 {strides = array<i32>} : memref<32x768xf32, #tpu.memory_space<vmem>>, vector<1x16xf32>,
      %get3A_165 = arith.index_cast %scan3A_53 : i32 to index
      %get3A_166 = arith.constant 128 : index
      %get3A_167 = tpu.vector_load %arg7[%get3A_165, %get3A_166] {strides = array<i32>} : memref<32x768xf32, #tpu.memory_space<vmem>>, vector<1x16xf32>,
      %get3A_168 = vector.shape_cast %get3A_167 : vector<1x16xf32> to vector<16xf32>
      %get3A_169 = arith.index_cast %scan3A_53 : i32 to index
      %get3A_170 = arith.constant 128 : index
      %get3A_171 = tpu.vector_load %arg5[%get3A_169, %get3A_170] {strides = array<i32>} : memref<32x768xf32, #tpu.memory_space<vmem>>, vector<1x16xf32>,
      %get3A_172 = vector.shape_cast %get3A_171 : vector<1x16xf32> to vector<16xf32>
      %add3A_173 = arith.addf %get3A_168, %get3A_172 : vector<16xf32>
      %swap3A_174 = arith.index_cast %scan3A_53 : i32 to index
      %swap3A_175 = arith.constant 128 : index
      %swap3A_176 = tpu.vector_load %arg7[%swap3A_174, %swap3A_175] {strides = array<i32>} : memref<32x768xf32, #tpu.memory_space<vmem>>, vector<1x16xf32>,
      %swap3A_177 = vector.shape_cast %swap3A_176 : vector<1x16xf32> to vector<16xf32>
      %swap3A_178 = vector.shape_cast %add3A_173 : vector<16xf32> to vector<1x16xf32>
      tpu.vector_store %arg7[%swap3A_174, %swap3A_175], %swap3A_178 {strides = array<i32>} : memref<32x768xf32, #tpu.memory_space<vmem>>, vector<1x16xf32>,
      %get3A_179 = arith.index_cast %scan3A_53 : i32 to index
      %get3A_180 = arith.constant 144 : index
      %get3A_181 = tpu.vector_load %arg7[%get3A_179, %get3A_180] {strides = array<i32>} : memref<32x768xf32, #tpu.memory_space<vmem>>, vector<1x16xf32>,
      %get3A_182 = vector.shape_cast %get3A_181 : vector<1x16xf32> to vector<16xf32>
      %get3A_183 = arith.index_cast %scan3A_53 : i32 to index
      %get3A_184 = arith.constant 144 : index
      %get3A_185 = tpu.vector_load %arg5[%get3A_183, %get3A_184] {strides = array<i32>} : memref<32x768xf32, #tpu.memory_space<vmem>>, vector<1x16xf32>,
      %get3A_186 = vector.shape_cast %get3A_185 : vector<1x16xf32> to vector<16xf32>
      %add3A_187 = arith.addf %get3A_182, %get3A_186 : vector<16xf32>
      %swap3A_188 = arith.index_cast %scan3A_53 : i32 to index
      %swap3A_189 = arith.constant 144 : index
      %swap3A_190 = tpu.vector_load %arg7[%swap3A_188, %swap3A_189] {strides = array<i32>} : memref<32x768xf32, #tpu.memory_space<vmem>>, vector<1x16xf32>,
      %swap3A_191 = vector.shape_cast %swap3A_190 : vector<1x16xf32> to vector<16xf32>
      %swap3A_192 = vector.shape_cast %add3A_187 : vector<16xf32> to vector<1x16xf32>
      tpu.vector_store %arg7[%swap3A_188, %swap3A_189], %swap3A_192 {strides = array<i32>} : memref<32x768xf32, #tpu.memory_space<vmem>>, vector<1x16xf32>,
      %get3A_193 = arith.index_cast %scan3A_53 : i32 to index
      %get3A_194 = arith.constant 160 : index
      %get3A_195 = tpu.vector_load %arg7[%get3A_193, %get3A_194] {strides = array<i32>} : memref<32x768xf32, #tpu.memory_space<vmem>>, vector<1x16xf32>,
      %get3A_196 = vector.shape_cast %get3A_195 : vector<1x16xf32> to vector<16xf32>
      %get3A_197 = arith.index_cast %scan3A_53 : i32 to index
      %get3A_198 = arith.constant 160 : index
      %get3A_199 = tpu.vector_load %arg5[%get3A_197, %get3A_198] {strides = array<i32>} : memref<32x768xf32, #tpu.memory_space<vmem>>, vector<1x16xf32>,
      %get3A_200 = vector.shape_cast %get3A_199 : vector<1x16xf32> to vector<16xf32>
      %add3A_201 = arith.addf %get3A_196, %get3A_200 : vector<16xf32>
      %swap3A_202 = arith.index_cast %scan3A_53 : i32 to index
      %swap3A_203 = arith.constant 160 : index
      %swap3A_204 = tpu.vector_load %arg7[%swap3A_202, %swap3A_203] {strides = array<i32>} : memref<32x768xf32, #tpu.memory_space<vmem>>, vector<1x16xf32>,
      %swap3A_205 = vector.shape_cast %swap3A_204 : vector<1x16xf32> to vector<16xf32>
      %swap3A_206 = vector.shape_cast %add3A_201 : vector<16xf32> to vector<1x16xf32>
      tpu.vector_store %arg7[%swap3A_202, %swap3A_203], %swap3A_206 {strides = array<i32>} : memref<32x768xf32, #tpu.memory_space<vmem>>, vector<1x16xf32>,
      %get3A_207 = arith.index_cast %scan3A_53 : i32 to index
      %get3A_208 = arith.constant 176 : index
      %get3A_209 = tpu.vector_load %arg7[%get3A_207, %get3A_208] {strides = array<i32>} : memref<32x768xf32, #tpu.memory_space<vmem>>, vector<1x16xf32>,
      %get3A_210 = vector.shape_cast %get3A_209 : vector<1x16xf32> to vector<16xf32>
      %get3A_211 = arith.index_cast %scan3A_53 : i32 to index
      %get3A_212 = arith.constant 176 : index
      %get3A_213 = tpu.vector_load %arg5[%get3A_211, %get3A_212] {strides = array<i32>} : memref<32x768xf32, #tpu.memory_space<vmem>>, vector<1x16xf32>,
      %get3A_214 = vector.shape_cast %get3A_213 : vector<1x16xf32> to vector<16xf32>
      %add3A_215 = arith.addf %get3A_210, %get3A_214 : vector<16xf32>
      %swap3A_216 = arith.index_cast %scan3A_53 : i32 to index
      %swap3A_217 = arith.constant 176 : index
      %swap3A_218 = tpu.vector_load %arg7[%swap3A_216, %swap3A_217] {strides = array<i32>} : memref<32x768xf32, #tpu.memory_space<vmem>>, vector<1x16xf32>,
      %swap3A_219 = vector.shape_cast %swap3A_218 : vector<1x16xf32> to vector<16xf32>
      %swap3A_220 = vector.shape_cast %add3A_215 : vector<16xf32> to vector<1x16xf32>
      tpu.vector_store %arg7[%swap3A_216, %swap3A_217], %swap3A_220 {strides = array<i32>} : memref<32x768xf32, #tpu.memory_space<vmem>>, vector<1x16xf32>,
      %get3A_221 = arith.index_cast %scan3A_53 : i32 to index
      %get3A_222 = arith.constant 192 : index
      %get3A_223 = tpu.vector_load %arg7[%get3A_221, %get3A_222] {strides = array<i32>} : memref<32x768xf32, #tpu.memory_space<vmem>>, vector<1x16xf32>,
      %get3A_224 = vector.shape_cast %get3A_223 : vector<1x16xf32> to vector<16xf32>
      %get3A_225 = arith.index_cast %scan3A_53 : i32 to index
      %get3A_226 = arith.constant 192 : index
      %get3A_227 = tpu.vector_load %arg5[%get3A_225, %get3A_226] {strides = array<i32>} : memref<32x768xf32, #tpu.memory_space<vmem>>, vector<1x16xf32>,
      %get3A_228 = vector.shape_cast %get3A_227 : vector<1x16xf32> to vector<16xf32>
      %add3A_229 = arith.addf %get3A_224, %get3A_228 : vector<16xf32>
      %swap3A_230 = arith.index_cast %scan3A_53 : i32 to index
      %swap3A_231 = arith.constant 192 : index
      %swap3A_232 = tpu.vector_load %arg7[%swap3A_230, %swap3A_231] {strides = array<i32>} : memref<32x768xf32, #tpu.memory_space<vmem>>, vector<1x16xf32>,
      %swap3A_233 = vector.shape_cast %swap3A_232 : vector<1x16xf32> to vector<16xf32>
      %swap3A_234 = vector.shape_cast %add3A_229 : vector<16xf32> to vector<1x16xf32>
      tpu.vector_store %arg7[%swap3A_230, %swap3A_231], %swap3A_234 {strides = array<i32>} : memref<32x768xf32, #tpu.memory_space<vmem>>, vector<1x16xf32>,
      %get3A_235 = arith.index_cast %scan3A_53 : i32 to index
      %get3A_236 = arith.constant 208 : index
      %get3A_237 = tpu.vector_load %arg7[%get3A_235, %get3A_236] {strides = array<i32>} : memref<32x768xf32, #tpu.memory_space<vmem>>, vector<1x16xf32>,
      %get3A_238 = vector.shape_cast %get3A_237 : vector<1x16xf32> to vector<16xf32>
      %get3A_239 = arith.index_cast %scan3A_53 : i32 to index
      %get3A_240 = arith.constant 208 : index
      %get3A_241 = tpu.vector_load %arg5[%get3A_239, %get3A_240] {strides = array<i32>} : memref<32x768xf32, #tpu.memory_space<vmem>>, vector<1x16xf32>,
      %get3A_242 = vector.shape_cast %get3A_241 : vector<1x16xf32> to vector<16xf32>
      %add3A_243 = arith.addf %get3A_238, %get3A_242 : vector<16xf32>
      %swap3A_244 = arith.index_cast %scan3A_53 : i32 to index
      %swap3A_245 = arith.constant 208 : index
      %swap3A_246 = tpu.vector_load %arg7[%swap3A_244, %swap3A_245] {strides = array<i32>} : memref<32x768xf32, #tpu.memory_space<vmem>>, vector<1x16xf32>,
      %swap3A_247 = vector.shape_cast %swap3A_246 : vector<1x16xf32> to vector<16xf32>
      %swap3A_248 = vector.shape_cast %add3A_243 : vector<16xf32> to vector<1x16xf32>
      tpu.vector_store %arg7[%swap3A_244, %swap3A_245], %swap3A_248 {strides = array<i32>} : memref<32x768xf32, #tpu.memory_space<vmem>>, vector<1x16xf32>,
      %get3A_249 = arith.index_cast %scan3A_53 : i32 to index
      %get3A_250 = arith.constant 224 : index
      %get3A_251 = tpu.vector_load %arg7[%get3A_249, %get3A_250] {strides = array<i32>} : memref<32x768xf32, #tpu.memory_space<vmem>>, vector<1x16xf32>,
      %get3A_252 = vector.shape_cast %get3A_251 : vector<1x16xf32> to vector<16xf32>
      %get3A_253 = arith.index_cast %scan3A_53 : i32 to index
      %get3A_254 = arith.constant 224 : index
      %get3A_255 = tpu.vector_load %arg5[%get3A_253, %get3A_254] {strides = array<i32>} : memref<32x768xf32, #tpu.memory_space<vmem>>, vector<1x16xf32>,
      %get3A_256 = vector.shape_cast %get3A_255 : vector<1x16xf32> to vector<16xf32>
      %add3A_257 = arith.addf %get3A_252, %get3A_256 : vector<16xf32>
      %swap3A_258 = arith.index_cast %scan3A_53 : i32 to index
      %swap3A_259 = arith.constant 224 : index
      %swap3A_260 = tpu.vector_load %arg7[%swap3A_258, %swap3A_259] {strides = array<i32>} : memref<32x768xf32, #tpu.memory_space<vmem>>, vector<1x16xf32>,
      %swap3A_261 = vector.shape_cast %swap3A_260 : vector<1x16xf32> to vector<16xf32>
      %swap3A_262 = vector.shape_cast %add3A_257 : vector<16xf32> to vector<1x16xf32>
      tpu.vector_store %arg7[%swap3A_258, %swap3A_259], %swap3A_262 {strides = array<i32>} : memref<32x768xf32, #tpu.memory_space<vmem>>, vector<1x16xf32>,
      %get3A_263 = arith.index_cast %scan3A_53 : i32 to index
      %get3A_264 = arith.constant 240 : index
      %get3A_265 = tpu.vector_load %arg7[%get3A_263, %get3A_264] {strides = array<i32>} : memref<32x768xf32, #tpu.memory_space<vmem>>, vector<1x16xf32>,
      %get3A_266 = vector.shape_cast %get3A_265 : vector<1x16xf32> to vector<16xf32>
      %get3A_267 = arith.index_cast %scan3A_53 : i32 to index
      %get3A_268 = arith.constant 240 : index
      %get3A_269 = tpu.vector_load %arg5[%get3A_267, %get3A_268] {strides = array<i32>} : memref<32x768xf32, #tpu.memory_space<vmem>>, vector<1x16xf32>,
      %get3A_270 = vector.shape_cast %get3A_269 : vector<1x16xf32> to vector<16xf32>
      %add3A_271 = arith.addf %get3A_266, %get3A_270 : vector<16xf32>
      %swap3A_272 = arith.index_cast %scan3A_53 : i32 to index
      %swap3A_273 = arith.constant 240 : index
      %swap3A_274 = tpu.vector_load %arg7[%swap3A_272, %swap3A_273] {strides = array<i32>} : memref<32x768xf32, #tpu.memory_space<vmem>>, vector<1x16xf32>,
      %swap3A_275 = vector.shape_cast %swap3A_274 : vector<1x16xf32> to vector<16xf32>
      %swap3A_276 = vector.shape_cast %add3A_271 : vector<16xf32> to vector<1x16xf32>
      tpu.vector_store %arg7[%swap3A_272, %swap3A_273], %swap3A_276 {strides = array<i32>} : memref<32x768xf32, #tpu.memory_space<vmem>>, vector<1x16xf32>,
      %get3A_277 = arith.index_cast %scan3A_53 : i32 to index
      %get3A_278 = arith.constant 256 : index
      %get3A_279 = tpu.vector_load %arg7[%get3A_277, %get3A_278] {strides = array<i32>} : memref<32x768xf32, #tpu.memory_space<vmem>>, vector<1x16xf32>,
      %get3A_280 = vector.shape_cast %get3A_279 : vector<1x16xf32> to vector<16xf32>
      %get3A_281 = arith.index_cast %scan3A_53 : i32 to index
      %get3A_282 = arith.constant 256 : index
      %get3A_283 = tpu.vector_load %arg5[%get3A_281, %get3A_282] {strides = array<i32>} : memref<32x768xf32, #tpu.memory_space<vmem>>, vector<1x16xf32>,
      %get3A_284 = vector.shape_cast %get3A_283 : vector<1x16xf32> to vector<16xf32>
      %add3A_285 = arith.addf %get3A_280, %get3A_284 : vector<16xf32>
      %swap3A_286 = arith.index_cast %scan3A_53 : i32 to index
      %swap3A_287 = arith.constant 256 : index
      %swap3A_288 = tpu.vector_load %arg7[%swap3A_286, %swap3A_287] {strides = array<i32>} : memref<32x768xf32, #tpu.memory_space<vmem>>, vector<1x16xf32>,
      %swap3A_289 = vector.shape_cast %swap3A_288 : vector<1x16xf32> to vector<16xf32>
      %swap3A_290 = vector.shape_cast %add3A_285 : vector<16xf32> to vector<1x16xf32>
      tpu.vector_store %arg7[%swap3A_286, %swap3A_287], %swap3A_290 {strides = array<i32>} : memref<32x768xf32, #tpu.memory_space<vmem>>, vector<1x16xf32>,
      %get3A_291 = arith.index_cast %scan3A_53 : i32 to index
      %get3A_292 = arith.constant 272 : index
      %get3A_293 = tpu.vector_load %arg7[%get3A_291, %get3A_292] {strides = array<i32>} : memref<32x768xf32, #tpu.memory_space<vmem>>, vector<1x16xf32>,
      %get3A_294 = vector.shape_cast %get3A_293 : vector<1x16xf32> to vector<16xf32>
      %get3A_295 = arith.index_cast %scan3A_53 : i32 to index
      %get3A_296 = arith.constant 272 : index
      %get3A_297 = tpu.vector_load %arg5[%get3A_295, %get3A_296] {strides = array<i32>} : memref<32x768xf32, #tpu.memory_space<vmem>>, vector<1x16xf32>,
      %get3A_298 = vector.shape_cast %get3A_297 : vector<1x16xf32> to vector<16xf32>
      %add3A_299 = arith.addf %get3A_294, %get3A_298 : vector<16xf32>
      %swap3A_300 = arith.index_cast %scan3A_53 : i32 to index
      %swap3A_301 = arith.constant 272 : index
      %swap3A_302 = tpu.vector_load %arg7[%swap3A_300, %swap3A_301] {strides = array<i32>} : memref<32x768xf32, #tpu.memory_space<vmem>>, vector<1x16xf32>,
      %swap3A_303 = vector.shape_cast %swap3A_302 : vector<1x16xf32> to vector<16xf32>
      %swap3A_304 = vector.shape_cast %add3A_299 : vector<16xf32> to vector<1x16xf32>
      tpu.vector_store %arg7[%swap3A_300, %swap3A_301], %swap3A_304 {strides = array<i32>} : memref<32x768xf32, #tpu.memory_space<vmem>>, vector<1x16xf32>,
      %get3A_305 = arith.index_cast %scan3A_53 : i32 to index
      %get3A_306 = arith.constant 288 : index
      %get3A_307 = tpu.vector_load %arg7[%get3A_305, %get3A_306] {strides = array<i32>} : memref<32x768xf32, #tpu.memory_space<vmem>>, vector<1x16xf32>,
      %get3A_308 = vector.shape_cast %get3A_307 : vector<1x16xf32> to vector<16xf32>
      %get3A_309 = arith.index_cast %scan3A_53 : i32 to index
      %get3A_310 = arith.constant 288 : index
      %get3A_311 = tpu.vector_load %arg5[%get3A_309, %get3A_310] {strides = array<i32>} : memref<32x768xf32, #tpu.memory_space<vmem>>, vector<1x16xf32>,
      %get3A_312 = vector.shape_cast %get3A_311 : vector<1x16xf32> to vector<16xf32>
      %add3A_313 = arith.addf %get3A_308, %get3A_312 : vector<16xf32>
      %swap3A_314 = arith.index_cast %scan3A_53 : i32 to index
      %swap3A_315 = arith.constant 288 : index
      %swap3A_316 = tpu.vector_load %arg7[%swap3A_314, %swap3A_315] {strides = array<i32>} : memref<32x768xf32, #tpu.memory_space<vmem>>, vector<1x16xf32>,
      %swap3A_317 = vector.shape_cast %swap3A_316 : vector<1x16xf32> to vector<16xf32>
      %swap3A_318 = vector.shape_cast %add3A_313 : vector<16xf32> to vector<1x16xf32>
      tpu.vector_store %arg7[%swap3A_314, %swap3A_315], %swap3A_318 {strides = array<i32>} : memref<32x768xf32, #tpu.memory_space<vmem>>, vector<1x16xf32>,
      %get3A_319 = arith.index_cast %scan3A_53 : i32 to index
      %get3A_320 = arith.constant 304 : index
      %get3A_321 = tpu.vector_load %arg7[%get3A_319, %get3A_320] {strides = array<i32>} : memref<32x768xf32, #tpu.memory_space<vmem>>, vector<1x16xf32>,
      %get3A_322 = vector.shape_cast %get3A_321 : vector<1x16xf32> to vector<16xf32>
      %get3A_323 = arith.index_cast %scan3A_53 : i32 to index
      %get3A_324 = arith.constant 304 : index
      %get3A_325 = tpu.vector_load %arg5[%get3A_323, %get3A_324] {strides = array<i32>} : memref<32x768xf32, #tpu.memory_space<vmem>>, vector<1x16xf32>,
      %get3A_326 = vector.shape_cast %get3A_325 : vector<1x16xf32> to vector<16xf32>
      %add3A_327 = arith.addf %get3A_322, %get3A_326 : vector<16xf32>
      %swap3A_328 = arith.index_cast %scan3A_53 : i32 to index
      %swap3A_329 = arith.constant 304 : index
      %swap3A_330 = tpu.vector_load %arg7[%swap3A_328, %swap3A_329] {strides = array<i32>} : memref<32x768xf32, #tpu.memory_space<vmem>>, vector<1x16xf32>,
      %swap3A_331 = vector.shape_cast %swap3A_330 : vector<1x16xf32> to vector<16xf32>
      %swap3A_332 = vector.shape_cast %add3A_327 : vector<16xf32> to vector<1x16xf32>
      tpu.vector_store %arg7[%swap3A_328, %swap3A_329], %swap3A_332 {strides = array<i32>} : memref<32x768xf32, #tpu.memory_space<vmem>>, vector<1x16xf32>,
      %get3A_333 = arith.index_cast %scan3A_53 : i32 to index
      %get3A_334 = arith.constant 320 : index
      %get3A_335 = tpu.vector_load %arg7[%get3A_333, %get3A_334] {strides = array<i32>} : memref<32x768xf32, #tpu.memory_space<vmem>>, vector<1x16xf32>,
      %get3A_336 = vector.shape_cast %get3A_335 : vector<1x16xf32> to vector<16xf32>
      %get3A_337 = arith.index_cast %scan3A_53 : i32 to index
      %get3A_338 = arith.constant 320 : index
      %get3A_339 = tpu.vector_load %arg5[%get3A_337, %get3A_338] {strides = array<i32>} : memref<32x768xf32, #tpu.memory_space<vmem>>, vector<1x16xf32>,
      %get3A_340 = vector.shape_cast %get3A_339 : vector<1x16xf32> to vector<16xf32>
      %add3A_341 = arith.addf %get3A_336, %get3A_340 : vector<16xf32>
      %swap3A_342 = arith.index_cast %scan3A_53 : i32 to index
      %swap3A_343 = arith.constant 320 : index
      %swap3A_344 = tpu.vector_load %arg7[%swap3A_342, %swap3A_343] {strides = array<i32>} : memref<32x768xf32, #tpu.memory_space<vmem>>, vector<1x16xf32>,
      %swap3A_345 = vector.shape_cast %swap3A_344 : vector<1x16xf32> to vector<16xf32>
      %swap3A_346 = vector.shape_cast %add3A_341 : vector<16xf32> to vector<1x16xf32>
      tpu.vector_store %arg7[%swap3A_342, %swap3A_343], %swap3A_346 {strides = array<i32>} : memref<32x768xf32, #tpu.memory_space<vmem>>, vector<1x16xf32>,
      %get3A_347 = arith.index_cast %scan3A_53 : i32 to index
      %get3A_348 = arith.constant 336 : index
      %get3A_349 = tpu.vector_load %arg7[%get3A_347, %get3A_348] {strides = array<i32>} : memref<32x768xf32, #tpu.memory_space<vmem>>, vector<1x16xf32>,
      %get3A_350 = vector.shape_cast %get3A_349 : vector<1x16xf32> to vector<16xf32>
      %get3A_351 = arith.index_cast %scan3A_53 : i32 to index
      %get3A_352 = arith.constant 336 : index
      %get3A_353 = tpu.vector_load %arg5[%get3A_351, %get3A_352] {strides = array<i32>} : memref<32x768xf32, #tpu.memory_space<vmem>>, vector<1x16xf32>,
      %get3A_354 = vector.shape_cast %get3A_353 : vector<1x16xf32> to vector<16xf32>
      %add3A_355 = arith.addf %get3A_350, %get3A_354 : vector<16xf32>
      %swap3A_356 = arith.index_cast %scan3A_53 : i32 to index
      %swap3A_357 = arith.constant 336 : index
      %swap3A_358 = tpu.vector_load %arg7[%swap3A_356, %swap3A_357] {strides = array<i32>} : memref<32x768xf32, #tpu.memory_space<vmem>>, vector<1x16xf32>,
      %swap3A_359 = vector.shape_cast %swap3A_358 : vector<1x16xf32> to vector<16xf32>
      %swap3A_360 = vector.shape_cast %add3A_355 : vector<16xf32> to vector<1x16xf32>
      tpu.vector_store %arg7[%swap3A_356, %swap3A_357], %swap3A_360 {strides = array<i32>} : memref<32x768xf32, #tpu.memory_space<vmem>>, vector<1x16xf32>,
      %get3A_361 = arith.index_cast %scan3A_53 : i32 to index
      %get3A_362 = arith.constant 352 : index
      %get3A_363 = tpu.vector_load %arg7[%get3A_361, %get3A_362] {strides = array<i32>} : memref<32x768xf32, #tpu.memory_space<vmem>>, vector<1x16xf32>,
      %get3A_364 = vector.shape_cast %get3A_363 : vector<1x16xf32> to vector<16xf32>
      %get3A_365 = arith.index_cast %scan3A_53 : i32 to index
      %get3A_366 = arith.constant 352 : index
      %get3A_367 = tpu.vector_load %arg5[%get3A_365, %get3A_366] {strides = array<i32>} : memref<32x768xf32, #tpu.memory_space<vmem>>, vector<1x16xf32>,
      %get3A_368 = vector.shape_cast %get3A_367 : vector<1x16xf32> to vector<16xf32>
      %add3A_369 = arith.addf %get3A_364, %get3A_368 : vector<16xf32>
      %swap3A_370 = arith.index_cast %scan3A_53 : i32 to index
      %swap3A_371 = arith.constant 352 : index
      %swap3A_372 = tpu.vector_load %arg7[%swap3A_370, %swap3A_371] {strides = array<i32>} : memref<32x768xf32, #tpu.memory_space<vmem>>, vector<1x16xf32>,
      %swap3A_373 = vector.shape_cast %swap3A_372 : vector<1x16xf32> to vector<16xf32>
      %swap3A_374 = vector.shape_cast %add3A_369 : vector<16xf32> to vector<1x16xf32>
      tpu.vector_store %arg7[%swap3A_370, %swap3A_371], %swap3A_374 {strides = array<i32>} : memref<32x768xf32, #tpu.memory_space<vmem>>, vector<1x16xf32>,
      %get3A_375 = arith.index_cast %scan3A_53 : i32 to index
      %get3A_376 = arith.constant 368 : index
      %get3A_377 = tpu.vector_load %arg7[%get3A_375, %get3A_376] {strides = array<i32>} : memref<32x768xf32, #tpu.memory_space<vmem>>, vector<1x16xf32>,
      %get3A_378 = vector.shape_cast %get3A_377 : vector<1x16xf32> to vector<16xf32>
      %get3A_379 = arith.index_cast %scan3A_53 : i32 to index
      %get3A_380 = arith.constant 368 : index
      %get3A_381 = tpu.vector_load %arg5[%get3A_379, %get3A_380] {strides = array<i32>} : memref<32x768xf32, #tpu.memory_space<vmem>>, vector<1x16xf32>,
      %get3A_382 = vector.shape_cast %get3A_381 : vector<1x16xf32> to vector<16xf32>
      %add3A_383 = arith.addf %get3A_378, %get3A_382 : vector<16xf32>
      %swap3A_384 = arith.index_cast %scan3A_53 : i32 to index
      %swap3A_385 = arith.constant 368 : index
      %swap3A_386 = tpu.vector_load %arg7[%swap3A_384, %swap3A_385] {strides = array<i32>} : memref<32x768xf32, #tpu.memory_space<vmem>>, vector<1x16xf32>,
      %swap3A_387 = vector.shape_cast %swap3A_386 : vector<1x16xf32> to vector<16xf32>
      %swap3A_388 = vector.shape_cast %add3A_383 : vector<16xf32> to vector<1x16xf32>
      tpu.vector_store %arg7[%swap3A_384, %swap3A_385], %swap3A_388 {strides = array<i32>} : memref<32x768xf32, #tpu.memory_space<vmem>>, vector<1x16xf32>,
      %get3A_389 = arith.index_cast %scan3A_53 : i32 to index
      %get3A_390 = arith.constant 384 : index
      %get3A_391 = tpu.vector_load %arg7[%get3A_389, %get3A_390] {strides = array<i32>} : memref<32x768xf32, #tpu.memory_space<vmem>>, vector<1x16xf32>,
      %get3A_392 = vector.shape_cast %get3A_391 : vector<1x16xf32> to vector<16xf32>
      %get3A_393 = arith.index_cast %scan3A_53 : i32 to index
      %get3A_394 = arith.constant 384 : index
      %get3A_395 = tpu.vector_load %arg5[%get3A_393, %get3A_394] {strides = array<i32>} : memref<32x768xf32, #tpu.memory_space<vmem>>, vector<1x16xf32>,
      %get3A_396 = vector.shape_cast %get3A_395 : vector<1x16xf32> to vector<16xf32>
      %add3A_397 = arith.addf %get3A_392, %get3A_396 : vector<16xf32>
      %swap3A_398 = arith.index_cast %scan3A_53 : i32 to index
      %swap3A_399 = arith.constant 384 : index
      %swap3A_400 = tpu.vector_load %arg7[%swap3A_398, %swap3A_399] {strides = array<i32>} : memref<32x768xf32, #tpu.memory_space<vmem>>, vector<1x16xf32>,
      %swap3A_401 = vector.shape_cast %swap3A_400 : vector<1x16xf32> to vector<16xf32>
      %swap3A_402 = vector.shape_cast %add3A_397 : vector<16xf32> to vector<1x16xf32>
      tpu.vector_store %arg7[%swap3A_398, %swap3A_399], %swap3A_402 {strides = array<i32>} : memref<32x768xf32, #tpu.memory_space<vmem>>, vector<1x16xf32>,
      %get3A_403 = arith.index_cast %scan3A_53 : i32 to index
      %get3A_404 = arith.constant 400 : index
      %get3A_405 = tpu.vector_load %arg7[%get3A_403, %get3A_404] {strides = array<i32>} : memref<32x768xf32, #tpu.memory_space<vmem>>, vector<1x16xf32>,
      %get3A_406 = vector.shape_cast %get3A_405 : vector<1x16xf32> to vector<16xf32>
      %get3A_407 = arith.index_cast %scan3A_53 : i32 to index
      %get3A_408 = arith.constant 400 : index
      %get3A_409 = tpu.vector_load %arg5[%get3A_407, %get3A_408] {strides = array<i32>} : memref<32x768xf32, #tpu.memory_space<vmem>>, vector<1x16xf32>,
      %get3A_410 = vector.shape_cast %get3A_409 : vector<1x16xf32> to vector<16xf32>
      %add3A_411 = arith.addf %get3A_406, %get3A_410 : vector<16xf32>
      %swap3A_412 = arith.index_cast %scan3A_53 : i32 to index
      %swap3A_413 = arith.constant 400 : index
      %swap3A_414 = tpu.vector_load %arg7[%swap3A_412, %swap3A_413] {strides = array<i32>} : memref<32x768xf32, #tpu.memory_space<vmem>>, vector<1x16xf32>,
      %swap3A_415 = vector.shape_cast %swap3A_414 : vector<1x16xf32> to vector<16xf32>
      %swap3A_416 = vector.shape_cast %add3A_411 : vector<16xf32> to vector<1x16xf32>
      tpu.vector_store %arg7[%swap3A_412, %swap3A_413], %swap3A_416 {strides = array<i32>} : memref<32x768xf32, #tpu.memory_space<vmem>>, vector<1x16xf32>,
      %get3A_417 = arith.index_cast %scan3A_53 : i32 to index
      %get3A_418 = arith.constant 416 : index
      %get3A_419 = tpu.vector_load %arg7[%get3A_417, %get3A_418] {strides = array<i32>} : memref<32x768xf32, #tpu.memory_space<vmem>>, vector<1x16xf32>,
      %get3A_420 = vector.shape_cast %get3A_419 : vector<1x16xf32> to vector<16xf32>
      %get3A_421 = arith.index_cast %scan3A_53 : i32 to index
      %get3A_422 = arith.constant 416 : index
      %get3A_423 = tpu.vector_load %arg5[%get3A_421, %get3A_422] {strides = array<i32>} : memref<32x768xf32, #tpu.memory_space<vmem>>, vector<1x16xf32>,
      %get3A_424 = vector.shape_cast %get3A_423 : vector<1x16xf32> to vector<16xf32>
      %add3A_425 = arith.addf %get3A_420, %get3A_424 : vector<16xf32>
      %swap3A_426 = arith.index_cast %scan3A_53 : i32 to index
      %swap3A_427 = arith.constant 416 : index
      %swap3A_428 = tpu.vector_load %arg7[%swap3A_426, %swap3A_427] {strides = array<i32>} : memref<32x768xf32, #tpu.memory_space<vmem>>, vector<1x16xf32>,
      %swap3A_429 = vector.shape_cast %swap3A_428 : vector<1x16xf32> to vector<16xf32>
      %swap3A_430 = vector.shape_cast %add3A_425 : vector<16xf32> to vector<1x16xf32>
      tpu.vector_store %arg7[%swap3A_426, %swap3A_427], %swap3A_430 {strides = array<i32>} : memref<32x768xf32, #tpu.memory_space<vmem>>, vector<1x16xf32>,
      %get3A_431 = arith.index_cast %scan3A_53 : i32 to index
      %get3A_432 = arith.constant 432 : index
      %get3A_433 = tpu.vector_load %arg7[%get3A_431, %get3A_432] {strides = array<i32>} : memref<32x768xf32, #tpu.memory_space<vmem>>, vector<1x16xf32>,
      %get3A_434 = vector.shape_cast %get3A_433 : vector<1x16xf32> to vector<16xf32>
      %get3A_435 = arith.index_cast %scan3A_53 : i32 to index
      %get3A_436 = arith.constant 432 : index
      %get3A_437 = tpu.vector_load %arg5[%get3A_435, %get3A_436] {strides = array<i32>} : memref<32x768xf32, #tpu.memory_space<vmem>>, vector<1x16xf32>,
      %get3A_438 = vector.shape_cast %get3A_437 : vector<1x16xf32> to vector<16xf32>
      %add3A_439 = arith.addf %get3A_434, %get3A_438 : vector<16xf32>
      %swap3A_440 = arith.index_cast %scan3A_53 : i32 to index
      %swap3A_441 = arith.constant 432 : index
      %swap3A_442 = tpu.vector_load %arg7[%swap3A_440, %swap3A_441] {strides = array<i32>} : memref<32x768xf32, #tpu.memory_space<vmem>>, vector<1x16xf32>,
      %swap3A_443 = vector.shape_cast %swap3A_442 : vector<1x16xf32> to vector<16xf32>
      %swap3A_444 = vector.shape_cast %add3A_439 : vector<16xf32> to vector<1x16xf32>
      tpu.vector_store %arg7[%swap3A_440, %swap3A_441], %swap3A_444 {strides = array<i32>} : memref<32x768xf32, #tpu.memory_space<vmem>>, vector<1x16xf32>,
      %get3A_445 = arith.index_cast %scan3A_53 : i32 to index
      %get3A_446 = arith.constant 448 : index
      %get3A_447 = tpu.vector_load %arg7[%get3A_445, %get3A_446] {strides = array<i32>} : memref<32x768xf32, #tpu.memory_space<vmem>>, vector<1x16xf32>,
      %get3A_448 = vector.shape_cast %get3A_447 : vector<1x16xf32> to vector<16xf32>
      %get3A_449 = arith.index_cast %scan3A_53 : i32 to index
      %get3A_450 = arith.constant 448 : index
      %get3A_451 = tpu.vector_load %arg5[%get3A_449, %get3A_450] {strides = array<i32>} : memref<32x768xf32, #tpu.memory_space<vmem>>, vector<1x16xf32>,
      %get3A_452 = vector.shape_cast %get3A_451 : vector<1x16xf32> to vector<16xf32>
      %add3A_453 = arith.addf %get3A_448, %get3A_452 : vector<16xf32>
      %swap3A_454 = arith.index_cast %scan3A_53 : i32 to index
      %swap3A_455 = arith.constant 448 : index
      %swap3A_456 = tpu.vector_load %arg7[%swap3A_454, %swap3A_455] {strides = array<i32>} : memref<32x768xf32, #tpu.memory_space<vmem>>, vector<1x16xf32>,
      %swap3A_457 = vector.shape_cast %swap3A_456 : vector<1x16xf32> to vector<16xf32>
      %swap3A_458 = vector.shape_cast %add3A_453 : vector<16xf32> to vector<1x16xf32>
      tpu.vector_store %arg7[%swap3A_454, %swap3A_455], %swap3A_458 {strides = array<i32>} : memref<32x768xf32, #tpu.memory_space<vmem>>, vector<1x16xf32>,
      %get3A_459 = arith.index_cast %scan3A_53 : i32 to index
      %get3A_460 = arith.constant 464 : index
      %get3A_461 = tpu.vector_load %arg7[%get3A_459, %get3A_460] {strides = array<i32>} : memref<32x768xf32, #tpu.memory_space<vmem>>, vector<1x16xf32>,
      %get3A_462 = vector.shape_cast %get3A_461 : vector<1x16xf32> to vector<16xf32>
      %get3A_463 = arith.index_cast %scan3A_53 : i32 to index
      %get3A_464 = arith.constant 464 : index
      %get3A_465 = tpu.vector_load %arg5[%get3A_463, %get3A_464] {strides = array<i32>} : memref<32x768xf32, #tpu.memory_space<vmem>>, vector<1x16xf32>,
      %get3A_466 = vector.shape_cast %get3A_465 : vector<1x16xf32> to vector<16xf32>
      %add3A_467 = arith.addf %get3A_462, %get3A_466 : vector<16xf32>
      %swap3A_468 = arith.index_cast %scan3A_53 : i32 to index
      %swap3A_469 = arith.constant 464 : index
      %swap3A_470 = tpu.vector_load %arg7[%swap3A_468, %swap3A_469] {strides = array<i32>} : memref<32x768xf32, #tpu.memory_space<vmem>>, vector<1x16xf32>,
      %swap3A_471 = vector.shape_cast %swap3A_470 : vector<1x16xf32> to vector<16xf32>
      %swap3A_472 = vector.shape_cast %add3A_467 : vector<16xf32> to vector<1x16xf32>
      tpu.vector_store %arg7[%swap3A_468, %swap3A_469], %swap3A_472 {strides = array<i32>} : memref<32x768xf32, #tpu.memory_space<vmem>>, vector<1x16xf32>,
      %get3A_473 = arith.index_cast %scan3A_53 : i32 to index
      %get3A_474 = arith.constant 480 : index
      %get3A_475 = tpu.vector_load %arg7[%get3A_473, %get3A_474] {strides = array<i32>} : memref<32x768xf32, #tpu.memory_space<vmem>>, vector<1x16xf32>,
      %get3A_476 = vector.shape_cast %get3A_475 : vector<1x16xf32> to vector<16xf32>
      %get3A_477 = arith.index_cast %scan3A_53 : i32 to index
      %get3A_478 = arith.constant 480 : index
      %get3A_479 = tpu.vector_load %arg5[%get3A_477, %get3A_478] {strides = array<i32>} : memref<32x768xf32, #tpu.memory_space<vmem>>, vector<1x16xf32>,
      %get3A_480 = vector.shape_cast %get3A_479 : vector<1x16xf32> to vector<16xf32>
      %add3A_481 = arith.addf %get3A_476, %get3A_480 : vector<16xf32>
      %swap3A_482 = arith.index_cast %scan3A_53 : i32 to index
      %swap3A_483 = arith.constant 480 : index
      %swap3A_484 = tpu.vector_load %arg7[%swap3A_482, %swap3A_483] {strides = array<i32>} : memref<32x768xf32, #tpu.memory_space<vmem>>, vector<1x16xf32>,
      %swap3A_485 = vector.shape_cast %swap3A_484 : vector<1x16xf32> to vector<16xf32>
      %swap3A_486 = vector.shape_cast %add3A_481 : vector<16xf32> to vector<1x16xf32>
      tpu.vector_store %arg7[%swap3A_482, %swap3A_483], %swap3A_486 {strides = array<i32>} : memref<32x768xf32, #tpu.memory_space<vmem>>, vector<1x16xf32>,
      %get3A_487 = arith.index_cast %scan3A_53 : i32 to index
      %get3A_488 = arith.constant 496 : index
      %get3A_489 = tpu.vector_load %arg7[%get3A_487, %get3A_488] {strides = array<i32>} : memref<32x768xf32, #tpu.memory_space<vmem>>, vector<1x16xf32>,
      %get3A_490 = vector.shape_cast %get3A_489 : vector<1x16xf32> to vector<16xf32>
      %get3A_491 = arith.index_cast %scan3A_53 : i32 to index
      %get3A_492 = arith.constant 496 : index
      %get3A_493 = tpu.vector_load %arg5[%get3A_491, %get3A_492] {strides = array<i32>} : memref<32x768xf32, #tpu.memory_space<vmem>>, vector<1x16xf32>,
      %get3A_494 = vector.shape_cast %get3A_493 : vector<1x16xf32> to vector<16xf32>
      %add3A_495 = arith.addf %get3A_490, %get3A_494 : vector<16xf32>
      %swap3A_496 = arith.index_cast %scan3A_53 : i32 to index
      %swap3A_497 = arith.constant 496 : index
      %swap3A_498 = tpu.vector_load %arg7[%swap3A_496, %swap3A_497] {strides = array<i32>} : memref<32x768xf32, #tpu.memory_space<vmem>>, vector<1x16xf32>,
      %swap3A_499 = vector.shape_cast %swap3A_498 : vector<1x16xf32> to vector<16xf32>
      %swap3A_500 = vector.shape_cast %add3A_495 : vector<16xf32> to vector<1x16xf32>
      tpu.vector_store %arg7[%swap3A_496, %swap3A_497], %swap3A_500 {strides = array<i32>} : memref<32x768xf32, #tpu.memory_space<vmem>>, vector<1x16xf32>,
      %get3A_501 = arith.index_cast %scan3A_53 : i32 to index
      %get3A_502 = arith.constant 512 : index
      %get3A_503 = tpu.vector_load %arg7[%get3A_501, %get3A_502] {strides = array<i32>} : memref<32x768xf32, #tpu.memory_space<vmem>>, vector<1x16xf32>,
      %get3A_504 = vector.shape_cast %get3A_503 : vector<1x16xf32> to vector<16xf32>
      %get3A_505 = arith.index_cast %scan3A_53 : i32 to index
      %get3A_506 = arith.constant 512 : index
      %get3A_507 = tpu.vector_load %arg5[%get3A_505, %get3A_506] {strides = array<i32>} : memref<32x768xf32, #tpu.memory_space<vmem>>, vector<1x16xf32>,
      %get3A_508 = vector.shape_cast %get3A_507 : vector<1x16xf32> to vector<16xf32>
      %add3A_509 = arith.addf %get3A_504, %get3A_508 : vector<16xf32>
      %swap3A_510 = arith.index_cast %scan3A_53 : i32 to index
      %swap3A_511 = arith.constant 512 : index
      %swap3A_512 = tpu.vector_load %arg7[%swap3A_510, %swap3A_511] {strides = array<i32>} : memref<32x768xf32, #tpu.memory_space<vmem>>, vector<1x16xf32>,
      %swap3A_513 = vector.shape_cast %swap3A_512 : vector<1x16xf32> to vector<16xf32>
      %swap3A_514 = vector.shape_cast %add3A_509 : vector<16xf32> to vector<1x16xf32>
      tpu.vector_store %arg7[%swap3A_510, %swap3A_511], %swap3A_514 {strides = array<i32>} : memref<32x768xf32, #tpu.memory_space<vmem>>, vector<1x16xf32>,
      %get3A_515 = arith.index_cast %scan3A_53 : i32 to index
      %get3A_516 = arith.constant 528 : index
      %get3A_517 = tpu.vector_load %arg7[%get3A_515, %get3A_516] {strides = array<i32>} : memref<32x768xf32, #tpu.memory_space<vmem>>, vector<1x16xf32>,
      %get3A_518 = vector.shape_cast %get3A_517 : vector<1x16xf32> to vector<16xf32>
      %get3A_519 = arith.index_cast %scan3A_53 : i32 to index
      %get3A_520 = arith.constant 528 : index
      %get3A_521 = tpu.vector_load %arg5[%get3A_519, %get3A_520] {strides = array<i32>} : memref<32x768xf32, #tpu.memory_space<vmem>>, vector<1x16xf32>,
      %get3A_522 = vector.shape_cast %get3A_521 : vector<1x16xf32> to vector<16xf32>
      %add3A_523 = arith.addf %get3A_518, %get3A_522 : vector<16xf32>
      %swap3A_524 = arith.index_cast %scan3A_53 : i32 to index
      %swap3A_525 = arith.constant 528 : index
      %swap3A_526 = tpu.vector_load %arg7[%swap3A_524, %swap3A_525] {strides = array<i32>} : memref<32x768xf32, #tpu.memory_space<vmem>>, vector<1x16xf32>,
      %swap3A_527 = vector.shape_cast %swap3A_526 : vector<1x16xf32> to vector<16xf32>
      %swap3A_528 = vector.shape_cast %add3A_523 : vector<16xf32> to vector<1x16xf32>
      tpu.vector_store %arg7[%swap3A_524, %swap3A_525], %swap3A_528 {strides = array<i32>} : memref<32x768xf32, #tpu.memory_space<vmem>>, vector<1x16xf32>,
      %get3A_529 = arith.index_cast %scan3A_53 : i32 to index
      %get3A_530 = arith.constant 544 : index
      %get3A_531 = tpu.vector_load %arg7[%get3A_529, %get3A_530] {strides = array<i32>} : memref<32x768xf32, #tpu.memory_space<vmem>>, vector<1x16xf32>,
      %get3A_532 = vector.shape_cast %get3A_531 : vector<1x16xf32> to vector<16xf32>
      %get3A_533 = arith.index_cast %scan3A_53 : i32 to index
      %get3A_534 = arith.constant 544 : index
      %get3A_535 = tpu.vector_load %arg5[%get3A_533, %get3A_534] {strides = array<i32>} : memref<32x768xf32, #tpu.memory_space<vmem>>, vector<1x16xf32>,
      %get3A_536 = vector.shape_cast %get3A_535 : vector<1x16xf32> to vector<16xf32>
      %add3A_537 = arith.addf %get3A_532, %get3A_536 : vector<16xf32>
      %swap3A_538 = arith.index_cast %scan3A_53 : i32 to index
      %swap3A_539 = arith.constant 544 : index
      %swap3A_540 = tpu.vector_load %arg7[%swap3A_538, %swap3A_539] {strides = array<i32>} : memref<32x768xf32, #tpu.memory_space<vmem>>, vector<1x16xf32>,
      %swap3A_541 = vector.shape_cast %swap3A_540 : vector<1x16xf32> to vector<16xf32>
      %swap3A_542 = vector.shape_cast %add3A_537 : vector<16xf32> to vector<1x16xf32>
      tpu.vector_store %arg7[%swap3A_538, %swap3A_539], %swap3A_542 {strides = array<i32>} : memref<32x768xf32, #tpu.memory_space<vmem>>, vector<1x16xf32>,
      %get3A_543 = arith.index_cast %scan3A_53 : i32 to index
      %get3A_544 = arith.constant 560 : index
      %get3A_545 = tpu.vector_load %arg7[%get3A_543, %get3A_544] {strides = array<i32>} : memref<32x768xf32, #tpu.memory_space<vmem>>, vector<1x16xf32>,
      %get3A_546 = vector.shape_cast %get3A_545 : vector<1x16xf32> to vector<16xf32>
      %get3A_547 = arith.index_cast %scan3A_53 : i32 to index
      %get3A_548 = arith.constant 560 : index
      %get3A_549 = tpu.vector_load %arg5[%get3A_547, %get3A_548] {strides = array<i32>} : memref<32x768xf32, #tpu.memory_space<vmem>>, vector<1x16xf32>,
      %get3A_550 = vector.shape_cast %get3A_549 : vector<1x16xf32> to vector<16xf32>
      %add3A_551 = arith.addf %get3A_546, %get3A_550 : vector<16xf32>
      %swap3A_552 = arith.index_cast %scan3A_53 : i32 to index
      %swap3A_553 = arith.constant 560 : index
      %swap3A_554 = tpu.vector_load %arg7[%swap3A_552, %swap3A_553] {strides = array<i32>} : memref<32x768xf32, #tpu.memory_space<vmem>>, vector<1x16xf32>,
      %swap3A_555 = vector.shape_cast %swap3A_554 : vector<1x16xf32> to vector<16xf32>
      %swap3A_556 = vector.shape_cast %add3A_551 : vector<16xf32> to vector<1x16xf32>
      tpu.vector_store %arg7[%swap3A_552, %swap3A_553], %swap3A_556 {strides = array<i32>} : memref<32x768xf32, #tpu.memory_space<vmem>>, vector<1x16xf32>,
      %get3A_557 = arith.index_cast %scan3A_53 : i32 to index
      %get3A_558 = arith.constant 576 : index
      %get3A_559 = tpu.vector_load %arg7[%get3A_557, %get3A_558] {strides = array<i32>} : memref<32x768xf32, #tpu.memory_space<vmem>>, vector<1x16xf32>,
      %get3A_560 = vector.shape_cast %get3A_559 : vector<1x16xf32> to vector<16xf32>
      %get3A_561 = arith.index_cast %scan3A_53 : i32 to index
      %get3A_562 = arith.constant 576 : index
      %get3A_563 = tpu.vector_load %arg5[%get3A_561, %get3A_562] {strides = array<i32>} : memref<32x768xf32, #tpu.memory_space<vmem>>, vector<1x16xf32>,
      %get3A_564 = vector.shape_cast %get3A_563 : vector<1x16xf32> to vector<16xf32>
      %add3A_565 = arith.addf %get3A_560, %get3A_564 : vector<16xf32>
      %swap3A_566 = arith.index_cast %scan3A_53 : i32 to index
      %swap3A_567 = arith.constant 576 : index
      %swap3A_568 = tpu.vector_load %arg7[%swap3A_566, %swap3A_567] {strides = array<i32>} : memref<32x768xf32, #tpu.memory_space<vmem>>, vector<1x16xf32>,
      %swap3A_569 = vector.shape_cast %swap3A_568 : vector<1x16xf32> to vector<16xf32>
      %swap3A_570 = vector.shape_cast %add3A_565 : vector<16xf32> to vector<1x16xf32>
      tpu.vector_store %arg7[%swap3A_566, %swap3A_567], %swap3A_570 {strides = array<i32>} : memref<32x768xf32, #tpu.memory_space<vmem>>, vector<1x16xf32>,
      %get3A_571 = arith.index_cast %scan3A_53 : i32 to index
      %get3A_572 = arith.constant 592 : index
      %get3A_573 = tpu.vector_load %arg7[%get3A_571, %get3A_572] {strides = array<i32>} : memref<32x768xf32, #tpu.memory_space<vmem>>, vector<1x16xf32>,
      %get3A_574 = vector.shape_cast %get3A_573 : vector<1x16xf32> to vector<16xf32>
      %get3A_575 = arith.index_cast %scan3A_53 : i32 to index
      %get3A_576 = arith.constant 592 : index
      %get3A_577 = tpu.vector_load %arg5[%get3A_575, %get3A_576] {strides = array<i32>} : memref<32x768xf32, #tpu.memory_space<vmem>>, vector<1x16xf32>,
      %get3A_578 = vector.shape_cast %get3A_577 : vector<1x16xf32> to vector<16xf32>
      %add3A_579 = arith.addf %get3A_574, %get3A_578 : vector<16xf32>
      %swap3A_580 = arith.index_cast %scan3A_53 : i32 to index
      %swap3A_581 = arith.constant 592 : index
      %swap3A_582 = tpu.vector_load %arg7[%swap3A_580, %swap3A_581] {strides = array<i32>} : memref<32x768xf32, #tpu.memory_space<vmem>>, vector<1x16xf32>,
      %swap3A_583 = vector.shape_cast %swap3A_582 : vector<1x16xf32> to vector<16xf32>
      %swap3A_584 = vector.shape_cast %add3A_579 : vector<16xf32> to vector<1x16xf32>
      tpu.vector_store %arg7[%swap3A_580, %swap3A_581], %swap3A_584 {strides = array<i32>} : memref<32x768xf32, #tpu.memory_space<vmem>>, vector<1x16xf32>,
      %get3A_585 = arith.index_cast %scan3A_53 : i32 to index
      %get3A_586 = arith.constant 608 : index
      %get3A_587 = tpu.vector_load %arg7[%get3A_585, %get3A_586] {strides = array<i32>} : memref<32x768xf32, #tpu.memory_space<vmem>>, vector<1x16xf32>,
      %get3A_588 = vector.shape_cast %get3A_587 : vector<1x16xf32> to vector<16xf32>
      %get3A_589 = arith.index_cast %scan3A_53 : i32 to index
      %get3A_590 = arith.constant 608 : index
      %get3A_591 = tpu.vector_load %arg5[%get3A_589, %get3A_590] {strides = array<i32>} : memref<32x768xf32, #tpu.memory_space<vmem>>, vector<1x16xf32>,
      %get3A_592 = vector.shape_cast %get3A_591 : vector<1x16xf32> to vector<16xf32>
      %add3A_593 = arith.addf %get3A_588, %get3A_592 : vector<16xf32>
      %swap3A_594 = arith.index_cast %scan3A_53 : i32 to index
      %swap3A_595 = arith.constant 608 : index
      %swap3A_596 = tpu.vector_load %arg7[%swap3A_594, %swap3A_595] {strides = array<i32>} : memref<32x768xf32, #tpu.memory_space<vmem>>, vector<1x16xf32>,
      %swap3A_597 = vector.shape_cast %swap3A_596 : vector<1x16xf32> to vector<16xf32>
      %swap3A_598 = vector.shape_cast %add3A_593 : vector<16xf32> to vector<1x16xf32>
      tpu.vector_store %arg7[%swap3A_594, %swap3A_595], %swap3A_598 {strides = array<i32>} : memref<32x768xf32, #tpu.memory_space<vmem>>, vector<1x16xf32>,
      %get3A_599 = arith.index_cast %scan3A_53 : i32 to index
      %get3A_600 = arith.constant 624 : index
      %get3A_601 = tpu.vector_load %arg7[%get3A_599, %get3A_600] {strides = array<i32>} : memref<32x768xf32, #tpu.memory_space<vmem>>, vector<1x16xf32>,
      %get3A_602 = vector.shape_cast %get3A_601 : vector<1x16xf32> to vector<16xf32>
      %get3A_603 = arith.index_cast %scan3A_53 : i32 to index
      %get3A_604 = arith.constant 624 : index
      %get3A_605 = tpu.vector_load %arg5[%get3A_603, %get3A_604] {strides = array<i32>} : memref<32x768xf32, #tpu.memory_space<vmem>>, vector<1x16xf32>,
      %get3A_606 = vector.shape_cast %get3A_605 : vector<1x16xf32> to vector<16xf32>
      %add3A_607 = arith.addf %get3A_602, %get3A_606 : vector<16xf32>
      %swap3A_608 = arith.index_cast %scan3A_53 : i32 to index
      %swap3A_609 = arith.constant 624 : index
      %swap3A_610 = tpu.vector_load %arg7[%swap3A_608, %swap3A_609] {strides = array<i32>} : memref<32x768xf32, #tpu.memory_space<vmem>>, vector<1x16xf32>,
      %swap3A_611 = vector.shape_cast %swap3A_610 : vector<1x16xf32> to vector<16xf32>
      %swap3A_612 = vector.shape_cast %add3A_607 : vector<16xf32> to vector<1x16xf32>
      tpu.vector_store %arg7[%swap3A_608, %swap3A_609], %swap3A_612 {strides = array<i32>} : memref<32x768xf32, #tpu.memory_space<vmem>>, vector<1x16xf32>,
      %get3A_613 = arith.index_cast %scan3A_53 : i32 to index
      %get3A_614 = arith.constant 640 : index
      %get3A_615 = tpu.vector_load %arg7[%get3A_613, %get3A_614] {strides = array<i32>} : memref<32x768xf32, #tpu.memory_space<vmem>>, vector<1x16xf32>,
      %get3A_616 = vector.shape_cast %get3A_615 : vector<1x16xf32> to vector<16xf32>
      %get3A_617 = arith.index_cast %scan3A_53 : i32 to index
      %get3A_618 = arith.constant 640 : index
      %get3A_619 = tpu.vector_load %arg5[%get3A_617, %get3A_618] {strides = array<i32>} : memref<32x768xf32, #tpu.memory_space<vmem>>, vector<1x16xf32>,
      %get3A_620 = vector.shape_cast %get3A_619 : vector<1x16xf32> to vector<16xf32>
      %add3A_621 = arith.addf %get3A_616, %get3A_620 : vector<16xf32>
      %swap3A_622 = arith.index_cast %scan3A_53 : i32 to index
      %swap3A_623 = arith.constant 640 : index
      %swap3A_624 = tpu.vector_load %arg7[%swap3A_622, %swap3A_623] {strides = array<i32>} : memref<32x768xf32, #tpu.memory_space<vmem>>, vector<1x16xf32>,
      %swap3A_625 = vector.shape_cast %swap3A_624 : vector<1x16xf32> to vector<16xf32>
      %swap3A_626 = vector.shape_cast %add3A_621 : vector<16xf32> to vector<1x16xf32>
      tpu.vector_store %arg7[%swap3A_622, %swap3A_623], %swap3A_626 {strides = array<i32>} : memref<32x768xf32, #tpu.memory_space<vmem>>, vector<1x16xf32>,
      %get3A_627 = arith.index_cast %scan3A_53 : i32 to index
      %get3A_628 = arith.constant 656 : index
      %get3A_629 = tpu.vector_load %arg7[%get3A_627, %get3A_628] {strides = array<i32>} : memref<32x768xf32, #tpu.memory_space<vmem>>, vector<1x16xf32>,
      %get3A_630 = vector.shape_cast %get3A_629 : vector<1x16xf32> to vector<16xf32>
      %get3A_631 = arith.index_cast %scan3A_53 : i32 to index
      %get3A_632 = arith.constant 656 : index
      %get3A_633 = tpu.vector_load %arg5[%get3A_631, %get3A_632] {strides = array<i32>} : memref<32x768xf32, #tpu.memory_space<vmem>>, vector<1x16xf32>,
      %get3A_634 = vector.shape_cast %get3A_633 : vector<1x16xf32> to vector<16xf32>
      %add3A_635 = arith.addf %get3A_630, %get3A_634 : vector<16xf32>
      %swap3A_636 = arith.index_cast %scan3A_53 : i32 to index
      %swap3A_637 = arith.constant 656 : index
      %swap3A_638 = tpu.vector_load %arg7[%swap3A_636, %swap3A_637] {strides = array<i32>} : memref<32x768xf32, #tpu.memory_space<vmem>>, vector<1x16xf32>,
      %swap3A_639 = vector.shape_cast %swap3A_638 : vector<1x16xf32> to vector<16xf32>
      %swap3A_640 = vector.shape_cast %add3A_635 : vector<16xf32> to vector<1x16xf32>
      tpu.vector_store %arg7[%swap3A_636, %swap3A_637], %swap3A_640 {strides = array<i32>} : memref<32x768xf32, #tpu.memory_space<vmem>>, vector<1x16xf32>,
      %get3A_641 = arith.index_cast %scan3A_53 : i32 to index
      %get3A_642 = arith.constant 672 : index
      %get3A_643 = tpu.vector_load %arg7[%get3A_641, %get3A_642] {strides = array<i32>} : memref<32x768xf32, #tpu.memory_space<vmem>>, vector<1x16xf32>,
      %get3A_644 = vector.shape_cast %get3A_643 : vector<1x16xf32> to vector<16xf32>
      %get3A_645 = arith.index_cast %scan3A_53 : i32 to index
      %get3A_646 = arith.constant 672 : index
      %get3A_647 = tpu.vector_load %arg5[%get3A_645, %get3A_646] {strides = array<i32>} : memref<32x768xf32, #tpu.memory_space<vmem>>, vector<1x16xf32>,
      %get3A_648 = vector.shape_cast %get3A_647 : vector<1x16xf32> to vector<16xf32>
      %add3A_649 = arith.addf %get3A_644, %get3A_648 : vector<16xf32>
      %swap3A_650 = arith.index_cast %scan3A_53 : i32 to index
      %swap3A_651 = arith.constant 672 : index
      %swap3A_652 = tpu.vector_load %arg7[%swap3A_650, %swap3A_651] {strides = array<i32>} : memref<32x768xf32, #tpu.memory_space<vmem>>, vector<1x16xf32>,
      %swap3A_653 = vector.shape_cast %swap3A_652 : vector<1x16xf32> to vector<16xf32>
      %swap3A_654 = vector.shape_cast %add3A_649 : vector<16xf32> to vector<1x16xf32>
      tpu.vector_store %arg7[%swap3A_650, %swap3A_651], %swap3A_654 {strides = array<i32>} : memref<32x768xf32, #tpu.memory_space<vmem>>, vector<1x16xf32>,
      %get3A_655 = arith.index_cast %scan3A_53 : i32 to index
      %get3A_656 = arith.constant 688 : index
      %get3A_657 = tpu.vector_load %arg7[%get3A_655, %get3A_656] {strides = array<i32>} : memref<32x768xf32, #tpu.memory_space<vmem>>, vector<1x16xf32>,
      %get3A_658 = vector.shape_cast %get3A_657 : vector<1x16xf32> to vector<16xf32>
      %get3A_659 = arith.index_cast %scan3A_53 : i32 to index
      %get3A_660 = arith.constant 688 : index
      %get3A_661 = tpu.vector_load %arg5[%get3A_659, %get3A_660] {strides = array<i32>} : memref<32x768xf32, #tpu.memory_space<vmem>>, vector<1x16xf32>,
      %get3A_662 = vector.shape_cast %get3A_661 : vector<1x16xf32> to vector<16xf32>
      %add3A_663 = arith.addf %get3A_658, %get3A_662 : vector<16xf32>
      %swap3A_664 = arith.index_cast %scan3A_53 : i32 to index
      %swap3A_665 = arith.constant 688 : index
      %swap3A_666 = tpu.vector_load %arg7[%swap3A_664, %swap3A_665] {strides = array<i32>} : memref<32x768xf32, #tpu.memory_space<vmem>>, vector<1x16xf32>,
      %swap3A_667 = vector.shape_cast %swap3A_666 : vector<1x16xf32> to vector<16xf32>
      %swap3A_668 = vector.shape_cast %add3A_663 : vector<16xf32> to vector<1x16xf32>
      tpu.vector_store %arg7[%swap3A_664, %swap3A_665], %swap3A_668 {strides = array<i32>} : memref<32x768xf32, #tpu.memory_space<vmem>>, vector<1x16xf32>,
      %get3A_669 = arith.index_cast %scan3A_53 : i32 to index
      %get3A_670 = arith.constant 704 : index
      %get3A_671 = tpu.vector_load %arg7[%get3A_669, %get3A_670] {strides = array<i32>} : memref<32x768xf32, #tpu.memory_space<vmem>>, vector<1x16xf32>,
      %get3A_672 = vector.shape_cast %get3A_671 : vector<1x16xf32> to vector<16xf32>
      %get3A_673 = arith.index_cast %scan3A_53 : i32 to index
      %get3A_674 = arith.constant 704 : index
      %get3A_675 = tpu.vector_load %arg5[%get3A_673, %get3A_674] {strides = array<i32>} : memref<32x768xf32, #tpu.memory_space<vmem>>, vector<1x16xf32>,
      %get3A_676 = vector.shape_cast %get3A_675 : vector<1x16xf32> to vector<16xf32>
      %add3A_677 = arith.addf %get3A_672, %get3A_676 : vector<16xf32>
      %swap3A_678 = arith.index_cast %scan3A_53 : i32 to index
      %swap3A_679 = arith.constant 704 : index
      %swap3A_680 = tpu.vector_load %arg7[%swap3A_678, %swap3A_679] {strides = array<i32>} : memref<32x768xf32, #tpu.memory_space<vmem>>, vector<1x16xf32>,
      %swap3A_681 = vector.shape_cast %swap3A_680 : vector<1x16xf32> to vector<16xf32>
      %swap3A_682 = vector.shape_cast %add3A_677 : vector<16xf32> to vector<1x16xf32>
      tpu.vector_store %arg7[%swap3A_678, %swap3A_679], %swap3A_682 {strides = array<i32>} : memref<32x768xf32, #tpu.memory_space<vmem>>, vector<1x16xf32>,
      %get3A_683 = arith.index_cast %scan3A_53 : i32 to index
      %get3A_684 = arith.constant 720 : index
      %get3A_685 = tpu.vector_load %arg7[%get3A_683, %get3A_684] {strides = array<i32>} : memref<32x768xf32, #tpu.memory_space<vmem>>, vector<1x16xf32>,
      %get3A_686 = vector.shape_cast %get3A_685 : vector<1x16xf32> to vector<16xf32>
      %get3A_687 = arith.index_cast %scan3A_53 : i32 to index
      %get3A_688 = arith.constant 720 : index
      %get3A_689 = tpu.vector_load %arg5[%get3A_687, %get3A_688] {strides = array<i32>} : memref<32x768xf32, #tpu.memory_space<vmem>>, vector<1x16xf32>,
      %get3A_690 = vector.shape_cast %get3A_689 : vector<1x16xf32> to vector<16xf32>
      %add3A_691 = arith.addf %get3A_686, %get3A_690 : vector<16xf32>
      %swap3A_692 = arith.index_cast %scan3A_53 : i32 to index
      %swap3A_693 = arith.constant 720 : index
      %swap3A_694 = tpu.vector_load %arg7[%swap3A_692, %swap3A_693] {strides = array<i32>} : memref<32x768xf32, #tpu.memory_space<vmem>>, vector<1x16xf32>,
      %swap3A_695 = vector.shape_cast %swap3A_694 : vector<1x16xf32> to vector<16xf32>
      %swap3A_696 = vector.shape_cast %add3A_691 : vector<16xf32> to vector<1x16xf32>
      tpu.vector_store %arg7[%swap3A_692, %swap3A_693], %swap3A_696 {strides = array<i32>} : memref<32x768xf32, #tpu.memory_space<vmem>>, vector<1x16xf32>,
      %get3A_697 = arith.index_cast %scan3A_53 : i32 to index
      %get3A_698 = arith.constant 736 : index
      %get3A_699 = tpu.vector_load %arg7[%get3A_697, %get3A_698] {strides = array<i32>} : memref<32x768xf32, #tpu.memory_space<vmem>>, vector<1x16xf32>,
      %get3A_700 = vector.shape_cast %get3A_699 : vector<1x16xf32> to vector<16xf32>
      %get3A_701 = arith.index_cast %scan3A_53 : i32 to index
      %get3A_702 = arith.constant 736 : index
      %get3A_703 = tpu.vector_load %arg5[%get3A_701, %get3A_702] {strides = array<i32>} : memref<32x768xf32, #tpu.memory_space<vmem>>, vector<1x16xf32>,
      %get3A_704 = vector.shape_cast %get3A_703 : vector<1x16xf32> to vector<16xf32>
      %add3A_705 = arith.addf %get3A_700, %get3A_704 : vector<16xf32>
      %swap3A_706 = arith.index_cast %scan3A_53 : i32 to index
      %swap3A_707 = arith.constant 736 : index
      %swap3A_708 = tpu.vector_load %arg7[%swap3A_706, %swap3A_707] {strides = array<i32>} : memref<32x768xf32, #tpu.memory_space<vmem>>, vector<1x16xf32>,
      %swap3A_709 = vector.shape_cast %swap3A_708 : vector<1x16xf32> to vector<16xf32>
      %swap3A_710 = vector.shape_cast %add3A_705 : vector<16xf32> to vector<1x16xf32>
      tpu.vector_store %arg7[%swap3A_706, %swap3A_707], %swap3A_710 {strides = array<i32>} : memref<32x768xf32, #tpu.memory_space<vmem>>, vector<1x16xf32>,
      %get3A_711 = arith.index_cast %scan3A_53 : i32 to index
      %get3A_712 = arith.constant 752 : index
      %get3A_713 = tpu.vector_load %arg7[%get3A_711, %get3A_712] {strides = array<i32>} : memref<32x768xf32, #tpu.memory_space<vmem>>, vector<1x16xf32>,
      %get3A_714 = vector.shape_cast %get3A_713 : vector<1x16xf32> to vector<16xf32>
      %get3A_715 = arith.index_cast %scan3A_53 : i32 to index
      %get3A_716 = arith.constant 752 : index
      %get3A_717 = tpu.vector_load %arg5[%get3A_715, %get3A_716] {strides = array<i32>} : memref<32x768xf32, #tpu.memory_space<vmem>>, vector<1x16xf32>,
      %get3A_718 = vector.shape_cast %get3A_717 : vector<1x16xf32> to vector<16xf32>
      %add3A_719 = arith.addf %get3A_714, %get3A_718 : vector<16xf32>
      %swap3A_720 = arith.index_cast %scan3A_53 : i32 to index
      %swap3A_721 = arith.constant 752 : index
      %swap3A_722 = tpu.vector_load %arg7[%swap3A_720, %swap3A_721] {strides = array<i32>} : memref<32x768xf32, #tpu.memory_space<vmem>>, vector<1x16xf32>,
      %swap3A_723 = vector.shape_cast %swap3A_722 : vector<1x16xf32> to vector<16xf32>
      %swap3A_724 = vector.shape_cast %add3A_719 : vector<16xf32> to vector<1x16xf32>
      tpu.vector_store %arg7[%swap3A_720, %swap3A_721], %swap3A_724 {strides = array<i32>} : memref<32x768xf32, #tpu.memory_space<vmem>>, vector<1x16xf32>,
      %scan3A_725 = arith.constant 0 : i32
      scf.yield %scan3A_725 : i32
    }
    %scan3A_33 = arith.constant 32 : i32
    %add3A_34 = arith.constant 0 : i32
    %add3A_35 = arith.addi %mul3A_2, %add3A_34 : i32
    %run_scoped3A = arith.constant 0 : i32
    "tpu.region"() ({
      %run_scoped3A_53 = tpu.sem_alloc : memref<!tpu.dma_semaphore, #tpu.memory_space<semaphore_mem>>
      %dma_start3A_54 = arith.constant 0 : i32
      %dma_start3A_55 = tpu.memref_slice %arg4[%run_scoped3A, %add3A_35, %dma_start3A_54] : memref<1x2048x768xf32, #tpu.memory_space<hbm>> -> memref<1x32x768xf32, #tpu.memory_space<hbm>>
      %dma_start3A_56 = tpu.memref_squeeze %dma_start3A_55 : memref<1x32x768xf32, #tpu.memory_space<hbm>> -> memref<32x768xf32, #tpu.memory_space<hbm>>
      %dma_start3A_57 = arith.constant 0 : i32
      %dma_start3A_58 = tpu.memref_slice %arg4[%run_scoped3A, %add3A_35, %dma_start3A_57] : memref<1x2048x768xf32, #tpu.memory_space<hbm>> -> memref<1x32x768xf32, #tpu.memory_space<hbm>>
      %dma_start3A_59 = tpu.memref_squeeze %dma_start3A_58 : memref<1x32x768xf32, #tpu.memory_space<hbm>> -> memref<32x768xf32, #tpu.memory_space<hbm>>
      tpu.enqueue_dma source(%arg7 : memref<32x768xf32, #tpu.memory_space<vmem>>) target(%dma_start3A_59 : memref<32x768xf32, #tpu.memory_space<hbm>>) target_semaphore(%run_scoped3A_53 : memref<!tpu.dma_semaphore, #tpu.memory_space<semaphore_mem>>)
      %dma_wait3A_60 = arith.constant 0 : i32
      %dma_wait3A_61 = tpu.memref_slice %arg4[%run_scoped3A, %add3A_35, %dma_wait3A_60] : memref<1x2048x768xf32, #tpu.memory_space<hbm>> -> memref<1x32x768xf32, #tpu.memory_space<hbm>>
      %dma_wait3A_62 = tpu.memref_squeeze %dma_wait3A_61 : memref<1x32x768xf32, #tpu.memory_space<hbm>> -> memref<32x768xf32, #tpu.memory_space<hbm>>
      %dma_wait3A_63 = arith.constant 0 : i32
      %dma_wait3A_64 = tpu.memref_slice %arg4[%run_scoped3A, %add3A_35, %dma_wait3A_63] : memref<1x2048x768xf32, #tpu.memory_space<hbm>> -> memref<1x32x768xf32, #tpu.memory_space<hbm>>
      %dma_wait3A_65 = tpu.memref_squeeze %dma_wait3A_64 : memref<1x32x768xf32, #tpu.memory_space<hbm>> -> memref<32x768xf32, #tpu.memory_space<hbm>>
      tpu.wait_dma2 semaphore(%run_scoped3A_53 : memref<!tpu.dma_semaphore, #tpu.memory_space<semaphore_mem>>) src(%arg7 : memref<32x768xf32, #tpu.memory_space<vmem>>) dst(%dma_wait3A_65 : memref<32x768xf32, #tpu.memory_space<hbm>>)
      tpu.yield
    }) : () -> ()
    %dma_wait3A_36 = arith.constant 3 : i32
    %dma_wait3A_37 = arith.constant 0 : i32
    %dma_wait3A_38 = tpu.memref_slice %arg2[%dma_wait3A_36, %add3A_14, %dma_wait3A_37] : memref<4x2048x768xf32, #tpu.memory_space<hbm>> -> memref<1x32x768xf32, #tpu.memory_space<hbm>>
    %dma_wait3A_39 = tpu.memref_squeeze %dma_wait3A_38 : memref<1x32x768xf32, #tpu.memory_space<hbm>> -> memref<32x768xf32, #tpu.memory_space<hbm>>
    %dma_wait3A_40 = arith.constant 0 : i32
    %dma_wait3A_41 = tpu.memref_slice %arg2[%dma_wait3A_36, %add3A_14, %dma_wait3A_40] : memref<4x2048x768xf32, #tpu.memory_space<hbm>> -> memref<1x32x768xf32, #tpu.memory_space<hbm>>
    %dma_wait3A_42 = tpu.memref_squeeze %dma_wait3A_41 : memref<1x32x768xf32, #tpu.memory_space<hbm>> -> memref<32x768xf32, #tpu.memory_space<hbm>>
    tpu.wait_dma2 semaphore(%arg10 : memref<!tpu.dma_semaphore, #tpu.memory_space<semaphore_mem>>) src(%dma_wait3A_42 : memref<32x768xf32, #tpu.memory_space<hbm>>) dst(%arg8 : memref<32x768xf32, #tpu.memory_space<vmem>>)
    %scan3A_43 = arith.constant 0 : i32
    %scan3A_44 = arith.constant 0 : i32
    %scan3A_45 = arith.constant 32 : i32
    %scan3A_46 = arith.addi %scan3A_44, %scan3A_45 : i32
    %scan3A_47 = arith.constant 1 : i32
    %scan3A_48 = scf.for %scan3A_53 = %scan3A_44 to %scan3A_46 step %scan3A_47 iter_args(%scan3A_54 = %scan3A_43) -> (i32)  : i32 {
      %get3A = arith.index_cast %scan3A_53 : i32 to index
      %get3A_55 = arith.constant 0 : index
      %get3A_56 = tpu.vector_load %arg8[%get3A, %get3A_55] {strides = array<i32>} : memref<32x768xf32, #tpu.memory_space<vmem>>, vector<1x16xf32>,
      %get3A_57 = vector.shape_cast %get3A_56 : vector<1x16xf32> to vector<16xf32>
      %get3A_58 = arith.index_cast %scan3A_53 : i32 to index
      %get3A_59 = arith.constant 0 : index
      %get3A_60 = tpu.vector_load %arg6[%get3A_58, %get3A_59] {strides = array<i32>} : memref<32x768xf32, #tpu.memory_space<vmem>>, vector<1x16xf32>,
      %get3A_61 = vector.shape_cast %get3A_60 : vector<1x16xf32> to vector<16xf32>
      %add3A_62 = arith.addf %get3A_57, %get3A_61 : vector<16xf32>
      %swap3A = arith.index_cast %scan3A_53 : i32 to index
      %swap3A_63 = arith.constant 0 : index
      %swap3A_64 = tpu.vector_load %arg8[%swap3A, %swap3A_63] {strides = array<i32>} : memref<32x768xf32, #tpu.memory_space<vmem>>, vector<1x16xf32>,
      %swap3A_65 = vector.shape_cast %swap3A_64 : vector<1x16xf32> to vector<16xf32>
      %swap3A_66 = vector.shape_cast %add3A_62 : vector<16xf32> to vector<1x16xf32>
      tpu.vector_store %arg8[%swap3A, %swap3A_63], %swap3A_66 {strides = array<i32>} : memref<32x768xf32, #tpu.memory_space<vmem>>, vector<1x16xf32>,
      %get3A_67 = arith.index_cast %scan3A_53 : i32 to index
      %get3A_68 = arith.constant 16 : index
      %get3A_69 = tpu.vector_load %arg8[%get3A_67, %get3A_68] {strides = array<i32>} : memref<32x768xf32, #tpu.memory_space<vmem>>, vector<1x16xf32>,
      %get3A_70 = vector.shape_cast %get3A_69 : vector<1x16xf32> to vector<16xf32>
      %get3A_71 = arith.index_cast %scan3A_53 : i32 to index
      %get3A_72 = arith.constant 16 : index
      %get3A_73 = tpu.vector_load %arg6[%get3A_71, %get3A_72] {strides = array<i32>} : memref<32x768xf32, #tpu.memory_space<vmem>>, vector<1x16xf32>,
      %get3A_74 = vector.shape_cast %get3A_73 : vector<1x16xf32> to vector<16xf32>
      %add3A_75 = arith.addf %get3A_70, %get3A_74 : vector<16xf32>
      %swap3A_76 = arith.index_cast %scan3A_53 : i32 to index
      %swap3A_77 = arith.constant 16 : index
      %swap3A_78 = tpu.vector_load %arg8[%swap3A_76, %swap3A_77] {strides = array<i32>} : memref<32x768xf32, #tpu.memory_space<vmem>>, vector<1x16xf32>,
      %swap3A_79 = vector.shape_cast %swap3A_78 : vector<1x16xf32> to vector<16xf32>
      %swap3A_80 = vector.shape_cast %add3A_75 : vector<16xf32> to vector<1x16xf32>
      tpu.vector_store %arg8[%swap3A_76, %swap3A_77], %swap3A_80 {strides = array<i32>} : memref<32x768xf32, #tpu.memory_space<vmem>>, vector<1x16xf32>,
      %get3A_81 = arith.index_cast %scan3A_53 : i32 to index
      %get3A_82 = arith.constant 32 : index
      %get3A_83 = tpu.vector_load %arg8[%get3A_81, %get3A_82] {strides = array<i32>} : memref<32x768xf32, #tpu.memory_space<vmem>>, vector<1x16xf32>,
      %get3A_84 = vector.shape_cast %get3A_83 : vector<1x16xf32> to vector<16xf32>
      %get3A_85 = arith.index_cast %scan3A_53 : i32 to index
      %get3A_86 = arith.constant 32 : index
      %get3A_87 = tpu.vector_load %arg6[%get3A_85, %get3A_86] {strides = array<i32>} : memref<32x768xf32, #tpu.memory_space<vmem>>, vector<1x16xf32>,
      %get3A_88 = vector.shape_cast %get3A_87 : vector<1x16xf32> to vector<16xf32>
      %add3A_89 = arith.addf %get3A_84, %get3A_88 : vector<16xf32>
      %swap3A_90 = arith.index_cast %scan3A_53 : i32 to index
      %swap3A_91 = arith.constant 32 : index
      %swap3A_92 = tpu.vector_load %arg8[%swap3A_90, %swap3A_91] {strides = array<i32>} : memref<32x768xf32, #tpu.memory_space<vmem>>, vector<1x16xf32>,
      %swap3A_93 = vector.shape_cast %swap3A_92 : vector<1x16xf32> to vector<16xf32>
      %swap3A_94 = vector.shape_cast %add3A_89 : vector<16xf32> to vector<1x16xf32>
      tpu.vector_store %arg8[%swap3A_90, %swap3A_91], %swap3A_94 {strides = array<i32>} : memref<32x768xf32, #tpu.memory_space<vmem>>, vector<1x16xf32>,
      %get3A_95 = arith.index_cast %scan3A_53 : i32 to index
      %get3A_96 = arith.constant 48 : index
      %get3A_97 = tpu.vector_load %arg8[%get3A_95, %get3A_96] {strides = array<i32>} : memref<32x768xf32, #tpu.memory_space<vmem>>, vector<1x16xf32>,
      %get3A_98 = vector.shape_cast %get3A_97 : vector<1x16xf32> to vector<16xf32>
      %get3A_99 = arith.index_cast %scan3A_53 : i32 to index
      %get3A_100 = arith.constant 48 : index
      %get3A_101 = tpu.vector_load %arg6[%get3A_99, %get3A_100] {strides = array<i32>} : memref<32x768xf32, #tpu.memory_space<vmem>>, vector<1x16xf32>,
      %get3A_102 = vector.shape_cast %get3A_101 : vector<1x16xf32> to vector<16xf32>
      %add3A_103 = arith.addf %get3A_98, %get3A_102 : vector<16xf32>
      %swap3A_104 = arith.index_cast %scan3A_53 : i32 to index
      %swap3A_105 = arith.constant 48 : index
      %swap3A_106 = tpu.vector_load %arg8[%swap3A_104, %swap3A_105] {strides = array<i32>} : memref<32x768xf32, #tpu.memory_space<vmem>>, vector<1x16xf32>,
      %swap3A_107 = vector.shape_cast %swap3A_106 : vector<1x16xf32> to vector<16xf32>
      %swap3A_108 = vector.shape_cast %add3A_103 : vector<16xf32> to vector<1x16xf32>
      tpu.vector_store %arg8[%swap3A_104, %swap3A_105], %swap3A_108 {strides = array<i32>} : memref<32x768xf32, #tpu.memory_space<vmem>>, vector<1x16xf32>,
      %get3A_109 = arith.index_cast %scan3A_53 : i32 to index
      %get3A_110 = arith.constant 64 : index
      %get3A_111 = tpu.vector_load %arg8[%get3A_109, %get3A_110] {strides = array<i32>} : memref<32x768xf32, #tpu.memory_space<vmem>>, vector<1x16xf32>,
      %get3A_112 = vector.shape_cast %get3A_111 : vector<1x16xf32> to vector<16xf32>
      %get3A_113 = arith.index_cast %scan3A_53 : i32 to index
      %get3A_114 = arith.constant 64 : index
      %get3A_115 = tpu.vector_load %arg6[%get3A_113, %get3A_114] {strides = array<i32>} : memref<32x768xf32, #tpu.memory_space<vmem>>, vector<1x16xf32>,
      %get3A_116 = vector.shape_cast %get3A_115 : vector<1x16xf32> to vector<16xf32>
      %add3A_117 = arith.addf %get3A_112, %get3A_116 : vector<16xf32>
      %swap3A_118 = arith.index_cast %scan3A_53 : i32 to index
      %swap3A_119 = arith.constant 64 : index
      %swap3A_120 = tpu.vector_load %arg8[%swap3A_118, %swap3A_119] {strides = array<i32>} : memref<32x768xf32, #tpu.memory_space<vmem>>, vector<1x16xf32>,
      %swap3A_121 = vector.shape_cast %swap3A_120 : vector<1x16xf32> to vector<16xf32>
      %swap3A_122 = vector.shape_cast %add3A_117 : vector<16xf32> to vector<1x16xf32>
      tpu.vector_store %arg8[%swap3A_118, %swap3A_119], %swap3A_122 {strides = array<i32>} : memref<32x768xf32, #tpu.memory_space<vmem>>, vector<1x16xf32>,
      %get3A_123 = arith.index_cast %scan3A_53 : i32 to index
      %get3A_124 = arith.constant 80 : index
      %get3A_125 = tpu.vector_load %arg8[%get3A_123, %get3A_124] {strides = array<i32>} : memref<32x768xf32, #tpu.memory_space<vmem>>, vector<1x16xf32>,
      %get3A_126 = vector.shape_cast %get3A_125 : vector<1x16xf32> to vector<16xf32>
      %get3A_127 = arith.index_cast %scan3A_53 : i32 to index
      %get3A_128 = arith.constant 80 : index
      %get3A_129 = tpu.vector_load %arg6[%get3A_127, %get3A_128] {strides = array<i32>} : memref<32x768xf32, #tpu.memory_space<vmem>>, vector<1x16xf32>,
      %get3A_130 = vector.shape_cast %get3A_129 : vector<1x16xf32> to vector<16xf32>
      %add3A_131 = arith.addf %get3A_126, %get3A_130 : vector<16xf32>
      %swap3A_132 = arith.index_cast %scan3A_53 : i32 to index
      %swap3A_133 = arith.constant 80 : index
      %swap3A_134 = tpu.vector_load %arg8[%swap3A_132, %swap3A_133] {strides = array<i32>} : memref<32x768xf32, #tpu.memory_space<vmem>>, vector<1x16xf32>,
      %swap3A_135 = vector.shape_cast %swap3A_134 : vector<1x16xf32> to vector<16xf32>
      %swap3A_136 = vector.shape_cast %add3A_131 : vector<16xf32> to vector<1x16xf32>
      tpu.vector_store %arg8[%swap3A_132, %swap3A_133], %swap3A_136 {strides = array<i32>} : memref<32x768xf32, #tpu.memory_space<vmem>>, vector<1x16xf32>,
      %get3A_137 = arith.index_cast %scan3A_53 : i32 to index
      %get3A_138 = arith.constant 96 : index
      %get3A_139 = tpu.vector_load %arg8[%get3A_137, %get3A_138] {strides = array<i32>} : memref<32x768xf32, #tpu.memory_space<vmem>>, vector<1x16xf32>,
      %get3A_140 = vector.shape_cast %get3A_139 : vector<1x16xf32> to vector<16xf32>
      %get3A_141 = arith.index_cast %scan3A_53 : i32 to index
      %get3A_142 = arith.constant 96 : index
      %get3A_143 = tpu.vector_load %arg6[%get3A_141, %get3A_142] {strides = array<i32>} : memref<32x768xf32, #tpu.memory_space<vmem>>, vector<1x16xf32>,
      %get3A_144 = vector.shape_cast %get3A_143 : vector<1x16xf32> to vector<16xf32>
      %add3A_145 = arith.addf %get3A_140, %get3A_144 : vector<16xf32>
      %swap3A_146 = arith.index_cast %scan3A_53 : i32 to index
      %swap3A_147 = arith.constant 96 : index
      %swap3A_148 = tpu.vector_load %arg8[%swap3A_146, %swap3A_147] {strides = array<i32>} : memref<32x768xf32, #tpu.memory_space<vmem>>, vector<1x16xf32>,
      %swap3A_149 = vector.shape_cast %swap3A_148 : vector<1x16xf32> to vector<16xf32>
      %swap3A_150 = vector.shape_cast %add3A_145 : vector<16xf32> to vector<1x16xf32>
      tpu.vector_store %arg8[%swap3A_146, %swap3A_147], %swap3A_150 {strides = array<i32>} : memref<32x768xf32, #tpu.memory_space<vmem>>, vector<1x16xf32>,
      %get3A_151 = arith.index_cast %scan3A_53 : i32 to index
      %get3A_152 = arith.constant 112 : index
      %get3A_153 = tpu.vector_load %arg8[%get3A_151, %get3A_152] {strides = array<i32>} : memref<32x768xf32, #tpu.memory_space<vmem>>, vector<1x16xf32>,
      %get3A_154 = vector.shape_cast %get3A_153 : vector<1x16xf32> to vector<16xf32>
      %get3A_155 = arith.index_cast %scan3A_53 : i32 to index
      %get3A_156 = arith.constant 112 : index
      %get3A_157 = tpu.vector_load %arg6[%get3A_155, %get3A_156] {strides = array<i32>} : memref<32x768xf32, #tpu.memory_space<vmem>>, vector<1x16xf32>,
      %get3A_158 = vector.shape_cast %get3A_157 : vector<1x16xf32> to vector<16xf32>
      %add3A_159 = arith.addf %get3A_154, %get3A_158 : vector<16xf32>
      %swap3A_160 = arith.index_cast %scan3A_53 : i32 to index
      %swap3A_161 = arith.constant 112 : index
      %swap3A_162 = tpu.vector_load %arg8[%swap3A_160, %swap3A_161] {strides = array<i32>} : memref<32x768xf32, #tpu.memory_space<vmem>>, vector<1x16xf32>,
      %swap3A_163 = vector.shape_cast %swap3A_162 : vector<1x16xf32> to vector<16xf32>
      %swap3A_164 = vector.shape_cast %add3A_159 : vector<16xf32> to vector<1x16xf32>
      tpu.vector_store %arg8[%swap3A_160, %swap3A_161], %swap3A_164 {strides = array<i32>} : memref<32x768xf32, #tpu.memory_space<vmem>>, vector<1x16xf32>,
      %get3A_165 = arith.index_cast %scan3A_53 : i32 to index
      %get3A_166 = arith.constant 128 : index
      %get3A_167 = tpu.vector_load %arg8[%get3A_165, %get3A_166] {strides = array<i32>} : memref<32x768xf32, #tpu.memory_space<vmem>>, vector<1x16xf32>,
      %get3A_168 = vector.shape_cast %get3A_167 : vector<1x16xf32> to vector<16xf32>
      %get3A_169 = arith.index_cast %scan3A_53 : i32 to index
      %get3A_170 = arith.constant 128 : index
      %get3A_171 = tpu.vector_load %arg6[%get3A_169, %get3A_170] {strides = array<i32>} : memref<32x768xf32, #tpu.memory_space<vmem>>, vector<1x16xf32>,
      %get3A_172 = vector.shape_cast %get3A_171 : vector<1x16xf32> to vector<16xf32>
      %add3A_173 = arith.addf %get3A_168, %get3A_172 : vector<16xf32>
      %swap3A_174 = arith.index_cast %scan3A_53 : i32 to index
      %swap3A_175 = arith.constant 128 : index
      %swap3A_176 = tpu.vector_load %arg8[%swap3A_174, %swap3A_175] {strides = array<i32>} : memref<32x768xf32, #tpu.memory_space<vmem>>, vector<1x16xf32>,
      %swap3A_177 = vector.shape_cast %swap3A_176 : vector<1x16xf32> to vector<16xf32>
      %swap3A_178 = vector.shape_cast %add3A_173 : vector<16xf32> to vector<1x16xf32>
      tpu.vector_store %arg8[%swap3A_174, %swap3A_175], %swap3A_178 {strides = array<i32>} : memref<32x768xf32, #tpu.memory_space<vmem>>, vector<1x16xf32>,
      %get3A_179 = arith.index_cast %scan3A_53 : i32 to index
      %get3A_180 = arith.constant 144 : index
      %get3A_181 = tpu.vector_load %arg8[%get3A_179, %get3A_180] {strides = array<i32>} : memref<32x768xf32, #tpu.memory_space<vmem>>, vector<1x16xf32>,
      %get3A_182 = vector.shape_cast %get3A_181 : vector<1x16xf32> to vector<16xf32>
      %get3A_183 = arith.index_cast %scan3A_53 : i32 to index
      %get3A_184 = arith.constant 144 : index
      %get3A_185 = tpu.vector_load %arg6[%get3A_183, %get3A_184] {strides = array<i32>} : memref<32x768xf32, #tpu.memory_space<vmem>>, vector<1x16xf32>,
      %get3A_186 = vector.shape_cast %get3A_185 : vector<1x16xf32> to vector<16xf32>
      %add3A_187 = arith.addf %get3A_182, %get3A_186 : vector<16xf32>
      %swap3A_188 = arith.index_cast %scan3A_53 : i32 to index
      %swap3A_189 = arith.constant 144 : index
      %swap3A_190 = tpu.vector_load %arg8[%swap3A_188, %swap3A_189] {strides = array<i32>} : memref<32x768xf32, #tpu.memory_space<vmem>>, vector<1x16xf32>,
      %swap3A_191 = vector.shape_cast %swap3A_190 : vector<1x16xf32> to vector<16xf32>
      %swap3A_192 = vector.shape_cast %add3A_187 : vector<16xf32> to vector<1x16xf32>
      tpu.vector_store %arg8[%swap3A_188, %swap3A_189], %swap3A_192 {strides = array<i32>} : memref<32x768xf32, #tpu.memory_space<vmem>>, vector<1x16xf32>,
      %get3A_193 = arith.index_cast %scan3A_53 : i32 to index
      %get3A_194 = arith.constant 160 : index
      %get3A_195 = tpu.vector_load %arg8[%get3A_193, %get3A_194] {strides = array<i32>} : memref<32x768xf32, #tpu.memory_space<vmem>>, vector<1x16xf32>,
      %get3A_196 = vector.shape_cast %get3A_195 : vector<1x16xf32> to vector<16xf32>
      %get3A_197 = arith.index_cast %scan3A_53 : i32 to index
      %get3A_198 = arith.constant 160 : index
      %get3A_199 = tpu.vector_load %arg6[%get3A_197, %get3A_198] {strides = array<i32>} : memref<32x768xf32, #tpu.memory_space<vmem>>, vector<1x16xf32>,
      %get3A_200 = vector.shape_cast %get3A_199 : vector<1x16xf32> to vector<16xf32>
      %add3A_201 = arith.addf %get3A_196, %get3A_200 : vector<16xf32>
      %swap3A_202 = arith.index_cast %scan3A_53 : i32 to index
      %swap3A_203 = arith.constant 160 : index
      %swap3A_204 = tpu.vector_load %arg8[%swap3A_202, %swap3A_203] {strides = array<i32>} : memref<32x768xf32, #tpu.memory_space<vmem>>, vector<1x16xf32>,
      %swap3A_205 = vector.shape_cast %swap3A_204 : vector<1x16xf32> to vector<16xf32>
      %swap3A_206 = vector.shape_cast %add3A_201 : vector<16xf32> to vector<1x16xf32>
      tpu.vector_store %arg8[%swap3A_202, %swap3A_203], %swap3A_206 {strides = array<i32>} : memref<32x768xf32, #tpu.memory_space<vmem>>, vector<1x16xf32>,
      %get3A_207 = arith.index_cast %scan3A_53 : i32 to index
      %get3A_208 = arith.constant 176 : index
      %get3A_209 = tpu.vector_load %arg8[%get3A_207, %get3A_208] {strides = array<i32>} : memref<32x768xf32, #tpu.memory_space<vmem>>, vector<1x16xf32>,
      %get3A_210 = vector.shape_cast %get3A_209 : vector<1x16xf32> to vector<16xf32>
      %get3A_211 = arith.index_cast %scan3A_53 : i32 to index
      %get3A_212 = arith.constant 176 : index
      %get3A_213 = tpu.vector_load %arg6[%get3A_211, %get3A_212] {strides = array<i32>} : memref<32x768xf32, #tpu.memory_space<vmem>>, vector<1x16xf32>,
      %get3A_214 = vector.shape_cast %get3A_213 : vector<1x16xf32> to vector<16xf32>
      %add3A_215 = arith.addf %get3A_210, %get3A_214 : vector<16xf32>
      %swap3A_216 = arith.index_cast %scan3A_53 : i32 to index
      %swap3A_217 = arith.constant 176 : index
      %swap3A_218 = tpu.vector_load %arg8[%swap3A_216, %swap3A_217] {strides = array<i32>} : memref<32x768xf32, #tpu.memory_space<vmem>>, vector<1x16xf32>,
      %swap3A_219 = vector.shape_cast %swap3A_218 : vector<1x16xf32> to vector<16xf32>
      %swap3A_220 = vector.shape_cast %add3A_215 : vector<16xf32> to vector<1x16xf32>
      tpu.vector_store %arg8[%swap3A_216, %swap3A_217], %swap3A_220 {strides = array<i32>} : memref<32x768xf32, #tpu.memory_space<vmem>>, vector<1x16xf32>,
      %get3A_221 = arith.index_cast %scan3A_53 : i32 to index
      %get3A_222 = arith.constant 192 : index
      %get3A_223 = tpu.vector_load %arg8[%get3A_221, %get3A_222] {strides = array<i32>} : memref<32x768xf32, #tpu.memory_space<vmem>>, vector<1x16xf32>,
      %get3A_224 = vector.shape_cast %get3A_223 : vector<1x16xf32> to vector<16xf32>
      %get3A_225 = arith.index_cast %scan3A_53 : i32 to index
      %get3A_226 = arith.constant 192 : index
      %get3A_227 = tpu.vector_load %arg6[%get3A_225, %get3A_226] {strides = array<i32>} : memref<32x768xf32, #tpu.memory_space<vmem>>, vector<1x16xf32>,
      %get3A_228 = vector.shape_cast %get3A_227 : vector<1x16xf32> to vector<16xf32>
      %add3A_229 = arith.addf %get3A_224, %get3A_228 : vector<16xf32>
      %swap3A_230 = arith.index_cast %scan3A_53 : i32 to index
      %swap3A_231 = arith.constant 192 : index
      %swap3A_232 = tpu.vector_load %arg8[%swap3A_230, %swap3A_231] {strides = array<i32>} : memref<32x768xf32, #tpu.memory_space<vmem>>, vector<1x16xf32>,
      %swap3A_233 = vector.shape_cast %swap3A_232 : vector<1x16xf32> to vector<16xf32>
      %swap3A_234 = vector.shape_cast %add3A_229 : vector<16xf32> to vector<1x16xf32>
      tpu.vector_store %arg8[%swap3A_230, %swap3A_231], %swap3A_234 {strides = array<i32>} : memref<32x768xf32, #tpu.memory_space<vmem>>, vector<1x16xf32>,
      %get3A_235 = arith.index_cast %scan3A_53 : i32 to index
      %get3A_236 = arith.constant 208 : index
      %get3A_237 = tpu.vector_load %arg8[%get3A_235, %get3A_236] {strides = array<i32>} : memref<32x768xf32, #tpu.memory_space<vmem>>, vector<1x16xf32>,
      %get3A_238 = vector.shape_cast %get3A_237 : vector<1x16xf32> to vector<16xf32>
      %get3A_239 = arith.index_cast %scan3A_53 : i32 to index
      %get3A_240 = arith.constant 208 : index
      %get3A_241 = tpu.vector_load %arg6[%get3A_239, %get3A_240] {strides = array<i32>} : memref<32x768xf32, #tpu.memory_space<vmem>>, vector<1x16xf32>,
      %get3A_242 = vector.shape_cast %get3A_241 : vector<1x16xf32> to vector<16xf32>
      %add3A_243 = arith.addf %get3A_238, %get3A_242 : vector<16xf32>
      %swap3A_244 = arith.index_cast %scan3A_53 : i32 to index
      %swap3A_245 = arith.constant 208 : index
      %swap3A_246 = tpu.vector_load %arg8[%swap3A_244, %swap3A_245] {strides = array<i32>} : memref<32x768xf32, #tpu.memory_space<vmem>>, vector<1x16xf32>,
      %swap3A_247 = vector.shape_cast %swap3A_246 : vector<1x16xf32> to vector<16xf32>
      %swap3A_248 = vector.shape_cast %add3A_243 : vector<16xf32> to vector<1x16xf32>
      tpu.vector_store %arg8[%swap3A_244, %swap3A_245], %swap3A_248 {strides = array<i32>} : memref<32x768xf32, #tpu.memory_space<vmem>>, vector<1x16xf32>,
      %get3A_249 = arith.index_cast %scan3A_53 : i32 to index
      %get3A_250 = arith.constant 224 : index
      %get3A_251 = tpu.vector_load %arg8[%get3A_249, %get3A_250] {strides = array<i32>} : memref<32x768xf32, #tpu.memory_space<vmem>>, vector<1x16xf32>,
      %get3A_252 = vector.shape_cast %get3A_251 : vector<1x16xf32> to vector<16xf32>
      %get3A_253 = arith.index_cast %scan3A_53 : i32 to index
      %get3A_254 = arith.constant 224 : index
      %get3A_255 = tpu.vector_load %arg6[%get3A_253, %get3A_254] {strides = array<i32>} : memref<32x768xf32, #tpu.memory_space<vmem>>, vector<1x16xf32>,
      %get3A_256 = vector.shape_cast %get3A_255 : vector<1x16xf32> to vector<16xf32>
      %add3A_257 = arith.addf %get3A_252, %get3A_256 : vector<16xf32>
      %swap3A_258 = arith.index_cast %scan3A_53 : i32 to index
      %swap3A_259 = arith.constant 224 : index
      %swap3A_260 = tpu.vector_load %arg8[%swap3A_258, %swap3A_259] {strides = array<i32>} : memref<32x768xf32, #tpu.memory_space<vmem>>, vector<1x16xf32>,
      %swap3A_261 = vector.shape_cast %swap3A_260 : vector<1x16xf32> to vector<16xf32>
      %swap3A_262 = vector.shape_cast %add3A_257 : vector<16xf32> to vector<1x16xf32>
      tpu.vector_store %arg8[%swap3A_258, %swap3A_259], %swap3A_262 {strides = array<i32>} : memref<32x768xf32, #tpu.memory_space<vmem>>, vector<1x16xf32>,
      %get3A_263 = arith.index_cast %scan3A_53 : i32 to index
      %get3A_264 = arith.constant 240 : index
      %get3A_265 = tpu.vector_load %arg8[%get3A_263, %get3A_264] {strides = array<i32>} : memref<32x768xf32, #tpu.memory_space<vmem>>, vector<1x16xf32>,
      %get3A_266 = vector.shape_cast %get3A_265 : vector<1x16xf32> to vector<16xf32>
      %get3A_267 = arith.index_cast %scan3A_53 : i32 to index
      %get3A_268 = arith.constant 240 : index
      %get3A_269 = tpu.vector_load %arg6[%get3A_267, %get3A_268] {strides = array<i32>} : memref<32x768xf32, #tpu.memory_space<vmem>>, vector<1x16xf32>,
      %get3A_270 = vector.shape_cast %get3A_269 : vector<1x16xf32> to vector<16xf32>
      %add3A_271 = arith.addf %get3A_266, %get3A_270 : vector<16xf32>
      %swap3A_272 = arith.index_cast %scan3A_53 : i32 to index
      %swap3A_273 = arith.constant 240 : index
      %swap3A_274 = tpu.vector_load %arg8[%swap3A_272, %swap3A_273] {strides = array<i32>} : memref<32x768xf32, #tpu.memory_space<vmem>>, vector<1x16xf32>,
      %swap3A_275 = vector.shape_cast %swap3A_274 : vector<1x16xf32> to vector<16xf32>
      %swap3A_276 = vector.shape_cast %add3A_271 : vector<16xf32> to vector<1x16xf32>
      tpu.vector_store %arg8[%swap3A_272, %swap3A_273], %swap3A_276 {strides = array<i32>} : memref<32x768xf32, #tpu.memory_space<vmem>>, vector<1x16xf32>,
      %get3A_277 = arith.index_cast %scan3A_53 : i32 to index
      %get3A_278 = arith.constant 256 : index
      %get3A_279 = tpu.vector_load %arg8[%get3A_277, %get3A_278] {strides = array<i32>} : memref<32x768xf32, #tpu.memory_space<vmem>>, vector<1x16xf32>,
      %get3A_280 = vector.shape_cast %get3A_279 : vector<1x16xf32> to vector<16xf32>
      %get3A_281 = arith.index_cast %scan3A_53 : i32 to index
      %get3A_282 = arith.constant 256 : index
      %get3A_283 = tpu.vector_load %arg6[%get3A_281, %get3A_282] {strides = array<i32>} : memref<32x768xf32, #tpu.memory_space<vmem>>, vector<1x16xf32>,
      %get3A_284 = vector.shape_cast %get3A_283 : vector<1x16xf32> to vector<16xf32>
      %add3A_285 = arith.addf %get3A_280, %get3A_284 : vector<16xf32>
      %swap3A_286 = arith.index_cast %scan3A_53 : i32 to index
      %swap3A_287 = arith.constant 256 : index
      %swap3A_288 = tpu.vector_load %arg8[%swap3A_286, %swap3A_287] {strides = array<i32>} : memref<32x768xf32, #tpu.memory_space<vmem>>, vector<1x16xf32>,
      %swap3A_289 = vector.shape_cast %swap3A_288 : vector<1x16xf32> to vector<16xf32>
      %swap3A_290 = vector.shape_cast %add3A_285 : vector<16xf32> to vector<1x16xf32>
      tpu.vector_store %arg8[%swap3A_286, %swap3A_287], %swap3A_290 {strides = array<i32>} : memref<32x768xf32, #tpu.memory_space<vmem>>, vector<1x16xf32>,
      %get3A_291 = arith.index_cast %scan3A_53 : i32 to index
      %get3A_292 = arith.constant 272 : index
      %get3A_293 = tpu.vector_load %arg8[%get3A_291, %get3A_292] {strides = array<i32>} : memref<32x768xf32, #tpu.memory_space<vmem>>, vector<1x16xf32>,
      %get3A_294 = vector.shape_cast %get3A_293 : vector<1x16xf32> to vector<16xf32>
      %get3A_295 = arith.index_cast %scan3A_53 : i32 to index
      %get3A_296 = arith.constant 272 : index
      %get3A_297 = tpu.vector_load %arg6[%get3A_295, %get3A_296] {strides = array<i32>} : memref<32x768xf32, #tpu.memory_space<vmem>>, vector<1x16xf32>,
      %get3A_298 = vector.shape_cast %get3A_297 : vector<1x16xf32> to vector<16xf32>
      %add3A_299 = arith.addf %get3A_294, %get3A_298 : vector<16xf32>
      %swap3A_300 = arith.index_cast %scan3A_53 : i32 to index
      %swap3A_301 = arith.constant 272 : index
      %swap3A_302 = tpu.vector_load %arg8[%swap3A_300, %swap3A_301] {strides = array<i32>} : memref<32x768xf32, #tpu.memory_space<vmem>>, vector<1x16xf32>,
      %swap3A_303 = vector.shape_cast %swap3A_302 : vector<1x16xf32> to vector<16xf32>
      %swap3A_304 = vector.shape_cast %add3A_299 : vector<16xf32> to vector<1x16xf32>
      tpu.vector_store %arg8[%swap3A_300, %swap3A_301], %swap3A_304 {strides = array<i32>} : memref<32x768xf32, #tpu.memory_space<vmem>>, vector<1x16xf32>,
      %get3A_305 = arith.index_cast %scan3A_53 : i32 to index
      %get3A_306 = arith.constant 288 : index
      %get3A_307 = tpu.vector_load %arg8[%get3A_305, %get3A_306] {strides = array<i32>} : memref<32x768xf32, #tpu.memory_space<vmem>>, vector<1x16xf32>,
      %get3A_308 = vector.shape_cast %get3A_307 : vector<1x16xf32> to vector<16xf32>
      %get3A_309 = arith.index_cast %scan3A_53 : i32 to index
      %get3A_310 = arith.constant 288 : index
      %get3A_311 = tpu.vector_load %arg6[%get3A_309, %get3A_310] {strides = array<i32>} : memref<32x768xf32, #tpu.memory_space<vmem>>, vector<1x16xf32>,
      %get3A_312 = vector.shape_cast %get3A_311 : vector<1x16xf32> to vector<16xf32>
      %add3A_313 = arith.addf %get3A_308, %get3A_312 : vector<16xf32>
      %swap3A_314 = arith.index_cast %scan3A_53 : i32 to index
      %swap3A_315 = arith.constant 288 : index
      %swap3A_316 = tpu.vector_load %arg8[%swap3A_314, %swap3A_315] {strides = array<i32>} : memref<32x768xf32, #tpu.memory_space<vmem>>, vector<1x16xf32>,
      %swap3A_317 = vector.shape_cast %swap3A_316 : vector<1x16xf32> to vector<16xf32>
      %swap3A_318 = vector.shape_cast %add3A_313 : vector<16xf32> to vector<1x16xf32>
      tpu.vector_store %arg8[%swap3A_314, %swap3A_315], %swap3A_318 {strides = array<i32>} : memref<32x768xf32, #tpu.memory_space<vmem>>, vector<1x16xf32>,
      %get3A_319 = arith.index_cast %scan3A_53 : i32 to index
      %get3A_320 = arith.constant 304 : index
      %get3A_321 = tpu.vector_load %arg8[%get3A_319, %get3A_320] {strides = array<i32>} : memref<32x768xf32, #tpu.memory_space<vmem>>, vector<1x16xf32>,
      %get3A_322 = vector.shape_cast %get3A_321 : vector<1x16xf32> to vector<16xf32>
      %get3A_323 = arith.index_cast %scan3A_53 : i32 to index
      %get3A_324 = arith.constant 304 : index
      %get3A_325 = tpu.vector_load %arg6[%get3A_323, %get3A_324] {strides = array<i32>} : memref<32x768xf32, #tpu.memory_space<vmem>>, vector<1x16xf32>,
      %get3A_326 = vector.shape_cast %get3A_325 : vector<1x16xf32> to vector<16xf32>
      %add3A_327 = arith.addf %get3A_322, %get3A_326 : vector<16xf32>
      %swap3A_328 = arith.index_cast %scan3A_53 : i32 to index
      %swap3A_329 = arith.constant 304 : index
      %swap3A_330 = tpu.vector_load %arg8[%swap3A_328, %swap3A_329] {strides = array<i32>} : memref<32x768xf32, #tpu.memory_space<vmem>>, vector<1x16xf32>,
      %swap3A_331 = vector.shape_cast %swap3A_330 : vector<1x16xf32> to vector<16xf32>
      %swap3A_332 = vector.shape_cast %add3A_327 : vector<16xf32> to vector<1x16xf32>
      tpu.vector_store %arg8[%swap3A_328, %swap3A_329], %swap3A_332 {strides = array<i32>} : memref<32x768xf32, #tpu.memory_space<vmem>>, vector<1x16xf32>,
      %get3A_333 = arith.index_cast %scan3A_53 : i32 to index
      %get3A_334 = arith.constant 320 : index
      %get3A_335 = tpu.vector_load %arg8[%get3A_333, %get3A_334] {strides = array<i32>} : memref<32x768xf32, #tpu.memory_space<vmem>>, vector<1x16xf32>,
      %get3A_336 = vector.shape_cast %get3A_335 : vector<1x16xf32> to vector<16xf32>
      %get3A_337 = arith.index_cast %scan3A_53 : i32 to index
      %get3A_338 = arith.constant 320 : index
      %get3A_339 = tpu.vector_load %arg6[%get3A_337, %get3A_338] {strides = array<i32>} : memref<32x768xf32, #tpu.memory_space<vmem>>, vector<1x16xf32>,
      %get3A_340 = vector.shape_cast %get3A_339 : vector<1x16xf32> to vector<16xf32>
      %add3A_341 = arith.addf %get3A_336, %get3A_340 : vector<16xf32>
      %swap3A_342 = arith.index_cast %scan3A_53 : i32 to index
      %swap3A_343 = arith.constant 320 : index
      %swap3A_344 = tpu.vector_load %arg8[%swap3A_342, %swap3A_343] {strides = array<i32>} : memref<32x768xf32, #tpu.memory_space<vmem>>, vector<1x16xf32>,
      %swap3A_345 = vector.shape_cast %swap3A_344 : vector<1x16xf32> to vector<16xf32>
      %swap3A_346 = vector.shape_cast %add3A_341 : vector<16xf32> to vector<1x16xf32>
      tpu.vector_store %arg8[%swap3A_342, %swap3A_343], %swap3A_346 {strides = array<i32>} : memref<32x768xf32, #tpu.memory_space<vmem>>, vector<1x16xf32>,
      %get3A_347 = arith.index_cast %scan3A_53 : i32 to index
      %get3A_348 = arith.constant 336 : index
      %get3A_349 = tpu.vector_load %arg8[%get3A_347, %get3A_348] {strides = array<i32>} : memref<32x768xf32, #tpu.memory_space<vmem>>, vector<1x16xf32>,
      %get3A_350 = vector.shape_cast %get3A_349 : vector<1x16xf32> to vector<16xf32>
      %get3A_351 = arith.index_cast %scan3A_53 : i32 to index
      %get3A_352 = arith.constant 336 : index
      %get3A_353 = tpu.vector_load %arg6[%get3A_351, %get3A_352] {strides = array<i32>} : memref<32x768xf32, #tpu.memory_space<vmem>>, vector<1x16xf32>,
      %get3A_354 = vector.shape_cast %get3A_353 : vector<1x16xf32> to vector<16xf32>
      %add3A_355 = arith.addf %get3A_350, %get3A_354 : vector<16xf32>
      %swap3A_356 = arith.index_cast %scan3A_53 : i32 to index
      %swap3A_357 = arith.constant 336 : index
      %swap3A_358 = tpu.vector_load %arg8[%swap3A_356, %swap3A_357] {strides = array<i32>} : memref<32x768xf32, #tpu.memory_space<vmem>>, vector<1x16xf32>,
      %swap3A_359 = vector.shape_cast %swap3A_358 : vector<1x16xf32> to vector<16xf32>
      %swap3A_360 = vector.shape_cast %add3A_355 : vector<16xf32> to vector<1x16xf32>
      tpu.vector_store %arg8[%swap3A_356, %swap3A_357], %swap3A_360 {strides = array<i32>} : memref<32x768xf32, #tpu.memory_space<vmem>>, vector<1x16xf32>,
      %get3A_361 = arith.index_cast %scan3A_53 : i32 to index
      %get3A_362 = arith.constant 352 : index
      %get3A_363 = tpu.vector_load %arg8[%get3A_361, %get3A_362] {strides = array<i32>} : memref<32x768xf32, #tpu.memory_space<vmem>>, vector<1x16xf32>,
      %get3A_364 = vector.shape_cast %get3A_363 : vector<1x16xf32> to vector<16xf32>
      %get3A_365 = arith.index_cast %scan3A_53 : i32 to index
      %get3A_366 = arith.constant 352 : index
      %get3A_367 = tpu.vector_load %arg6[%get3A_365, %get3A_366] {strides = array<i32>} : memref<32x768xf32, #tpu.memory_space<vmem>>, vector<1x16xf32>,
      %get3A_368 = vector.shape_cast %get3A_367 : vector<1x16xf32> to vector<16xf32>
      %add3A_369 = arith.addf %get3A_364, %get3A_368 : vector<16xf32>
      %swap3A_370 = arith.index_cast %scan3A_53 : i32 to index
      %swap3A_371 = arith.constant 352 : index
      %swap3A_372 = tpu.vector_load %arg8[%swap3A_370, %swap3A_371] {strides = array<i32>} : memref<32x768xf32, #tpu.memory_space<vmem>>, vector<1x16xf32>,
      %swap3A_373 = vector.shape_cast %swap3A_372 : vector<1x16xf32> to vector<16xf32>
      %swap3A_374 = vector.shape_cast %add3A_369 : vector<16xf32> to vector<1x16xf32>
      tpu.vector_store %arg8[%swap3A_370, %swap3A_371], %swap3A_374 {strides = array<i32>} : memref<32x768xf32, #tpu.memory_space<vmem>>, vector<1x16xf32>,
      %get3A_375 = arith.index_cast %scan3A_53 : i32 to index
      %get3A_376 = arith.constant 368 : index
      %get3A_377 = tpu.vector_load %arg8[%get3A_375, %get3A_376] {strides = array<i32>} : memref<32x768xf32, #tpu.memory_space<vmem>>, vector<1x16xf32>,
      %get3A_378 = vector.shape_cast %get3A_377 : vector<1x16xf32> to vector<16xf32>
      %get3A_379 = arith.index_cast %scan3A_53 : i32 to index
      %get3A_380 = arith.constant 368 : index
      %get3A_381 = tpu.vector_load %arg6[%get3A_379, %get3A_380] {strides = array<i32>} : memref<32x768xf32, #tpu.memory_space<vmem>>, vector<1x16xf32>,
      %get3A_382 = vector.shape_cast %get3A_381 : vector<1x16xf32> to vector<16xf32>
      %add3A_383 = arith.addf %get3A_378, %get3A_382 : vector<16xf32>
      %swap3A_384 = arith.index_cast %scan3A_53 : i32 to index
      %swap3A_385 = arith.constant 368 : index
      %swap3A_386 = tpu.vector_load %arg8[%swap3A_384, %swap3A_385] {strides = array<i32>} : memref<32x768xf32, #tpu.memory_space<vmem>>, vector<1x16xf32>,
      %swap3A_387 = vector.shape_cast %swap3A_386 : vector<1x16xf32> to vector<16xf32>
      %swap3A_388 = vector.shape_cast %add3A_383 : vector<16xf32> to vector<1x16xf32>
      tpu.vector_store %arg8[%swap3A_384, %swap3A_385], %swap3A_388 {strides = array<i32>} : memref<32x768xf32, #tpu.memory_space<vmem>>, vector<1x16xf32>,
      %get3A_389 = arith.index_cast %scan3A_53 : i32 to index
      %get3A_390 = arith.constant 384 : index
      %get3A_391 = tpu.vector_load %arg8[%get3A_389, %get3A_390] {strides = array<i32>} : memref<32x768xf32, #tpu.memory_space<vmem>>, vector<1x16xf32>,
      %get3A_392 = vector.shape_cast %get3A_391 : vector<1x16xf32> to vector<16xf32>
      %get3A_393 = arith.index_cast %scan3A_53 : i32 to index
      %get3A_394 = arith.constant 384 : index
      %get3A_395 = tpu.vector_load %arg6[%get3A_393, %get3A_394] {strides = array<i32>} : memref<32x768xf32, #tpu.memory_space<vmem>>, vector<1x16xf32>,
      %get3A_396 = vector.shape_cast %get3A_395 : vector<1x16xf32> to vector<16xf32>
      %add3A_397 = arith.addf %get3A_392, %get3A_396 : vector<16xf32>
      %swap3A_398 = arith.index_cast %scan3A_53 : i32 to index
      %swap3A_399 = arith.constant 384 : index
      %swap3A_400 = tpu.vector_load %arg8[%swap3A_398, %swap3A_399] {strides = array<i32>} : memref<32x768xf32, #tpu.memory_space<vmem>>, vector<1x16xf32>,
      %swap3A_401 = vector.shape_cast %swap3A_400 : vector<1x16xf32> to vector<16xf32>
      %swap3A_402 = vector.shape_cast %add3A_397 : vector<16xf32> to vector<1x16xf32>
      tpu.vector_store %arg8[%swap3A_398, %swap3A_399], %swap3A_402 {strides = array<i32>} : memref<32x768xf32, #tpu.memory_space<vmem>>, vector<1x16xf32>,
      %get3A_403 = arith.index_cast %scan3A_53 : i32 to index
      %get3A_404 = arith.constant 400 : index
      %get3A_405 = tpu.vector_load %arg8[%get3A_403, %get3A_404] {strides = array<i32>} : memref<32x768xf32, #tpu.memory_space<vmem>>, vector<1x16xf32>,
      %get3A_406 = vector.shape_cast %get3A_405 : vector<1x16xf32> to vector<16xf32>
      %get3A_407 = arith.index_cast %scan3A_53 : i32 to index
      %get3A_408 = arith.constant 400 : index
      %get3A_409 = tpu.vector_load %arg6[%get3A_407, %get3A_408] {strides = array<i32>} : memref<32x768xf32, #tpu.memory_space<vmem>>, vector<1x16xf32>,
      %get3A_410 = vector.shape_cast %get3A_409 : vector<1x16xf32> to vector<16xf32>
      %add3A_411 = arith.addf %get3A_406, %get3A_410 : vector<16xf32>
      %swap3A_412 = arith.index_cast %scan3A_53 : i32 to index
      %swap3A_413 = arith.constant 400 : index
      %swap3A_414 = tpu.vector_load %arg8[%swap3A_412, %swap3A_413] {strides = array<i32>} : memref<32x768xf32, #tpu.memory_space<vmem>>, vector<1x16xf32>,
      %swap3A_415 = vector.shape_cast %swap3A_414 : vector<1x16xf32> to vector<16xf32>
      %swap3A_416 = vector.shape_cast %add3A_411 : vector<16xf32> to vector<1x16xf32>
      tpu.vector_store %arg8[%swap3A_412, %swap3A_413], %swap3A_416 {strides = array<i32>} : memref<32x768xf32, #tpu.memory_space<vmem>>, vector<1x16xf32>,
      %get3A_417 = arith.index_cast %scan3A_53 : i32 to index
      %get3A_418 = arith.constant 416 : index
      %get3A_419 = tpu.vector_load %arg8[%get3A_417, %get3A_418] {strides = array<i32>} : memref<32x768xf32, #tpu.memory_space<vmem>>, vector<1x16xf32>,
      %get3A_420 = vector.shape_cast %get3A_419 : vector<1x16xf32> to vector<16xf32>
      %get3A_421 = arith.index_cast %scan3A_53 : i32 to index
      %get3A_422 = arith.constant 416 : index
      %get3A_423 = tpu.vector_load %arg6[%get3A_421, %get3A_422] {strides = array<i32>} : memref<32x768xf32, #tpu.memory_space<vmem>>, vector<1x16xf32>,
      %get3A_424 = vector.shape_cast %get3A_423 : vector<1x16xf32> to vector<16xf32>
      %add3A_425 = arith.addf %get3A_420, %get3A_424 : vector<16xf32>
      %swap3A_426 = arith.index_cast %scan3A_53 : i32 to index
      %swap3A_427 = arith.constant 416 : index
      %swap3A_428 = tpu.vector_load %arg8[%swap3A_426, %swap3A_427] {strides = array<i32>} : memref<32x768xf32, #tpu.memory_space<vmem>>, vector<1x16xf32>,
      %swap3A_429 = vector.shape_cast %swap3A_428 : vector<1x16xf32> to vector<16xf32>
      %swap3A_430 = vector.shape_cast %add3A_425 : vector<16xf32> to vector<1x16xf32>
      tpu.vector_store %arg8[%swap3A_426, %swap3A_427], %swap3A_430 {strides = array<i32>} : memref<32x768xf32, #tpu.memory_space<vmem>>, vector<1x16xf32>,
      %get3A_431 = arith.index_cast %scan3A_53 : i32 to index
      %get3A_432 = arith.constant 432 : index
      %get3A_433 = tpu.vector_load %arg8[%get3A_431, %get3A_432] {strides = array<i32>} : memref<32x768xf32, #tpu.memory_space<vmem>>, vector<1x16xf32>,
      %get3A_434 = vector.shape_cast %get3A_433 : vector<1x16xf32> to vector<16xf32>
      %get3A_435 = arith.index_cast %scan3A_53 : i32 to index
      %get3A_436 = arith.constant 432 : index
      %get3A_437 = tpu.vector_load %arg6[%get3A_435, %get3A_436] {strides = array<i32>} : memref<32x768xf32, #tpu.memory_space<vmem>>, vector<1x16xf32>,
      %get3A_438 = vector.shape_cast %get3A_437 : vector<1x16xf32> to vector<16xf32>
      %add3A_439 = arith.addf %get3A_434, %get3A_438 : vector<16xf32>
      %swap3A_440 = arith.index_cast %scan3A_53 : i32 to index
      %swap3A_441 = arith.constant 432 : index
      %swap3A_442 = tpu.vector_load %arg8[%swap3A_440, %swap3A_441] {strides = array<i32>} : memref<32x768xf32, #tpu.memory_space<vmem>>, vector<1x16xf32>,
      %swap3A_443 = vector.shape_cast %swap3A_442 : vector<1x16xf32> to vector<16xf32>
      %swap3A_444 = vector.shape_cast %add3A_439 : vector<16xf32> to vector<1x16xf32>
      tpu.vector_store %arg8[%swap3A_440, %swap3A_441], %swap3A_444 {strides = array<i32>} : memref<32x768xf32, #tpu.memory_space<vmem>>, vector<1x16xf32>,
      %get3A_445 = arith.index_cast %scan3A_53 : i32 to index
      %get3A_446 = arith.constant 448 : index
      %get3A_447 = tpu.vector_load %arg8[%get3A_445, %get3A_446] {strides = array<i32>} : memref<32x768xf32, #tpu.memory_space<vmem>>, vector<1x16xf32>,
      %get3A_448 = vector.shape_cast %get3A_447 : vector<1x16xf32> to vector<16xf32>
      %get3A_449 = arith.index_cast %scan3A_53 : i32 to index
      %get3A_450 = arith.constant 448 : index
      %get3A_451 = tpu.vector_load %arg6[%get3A_449, %get3A_450] {strides = array<i32>} : memref<32x768xf32, #tpu.memory_space<vmem>>, vector<1x16xf32>,
      %get3A_452 = vector.shape_cast %get3A_451 : vector<1x16xf32> to vector<16xf32>
      %add3A_453 = arith.addf %get3A_448, %get3A_452 : vector<16xf32>
      %swap3A_454 = arith.index_cast %scan3A_53 : i32 to index
      %swap3A_455 = arith.constant 448 : index
      %swap3A_456 = tpu.vector_load %arg8[%swap3A_454, %swap3A_455] {strides = array<i32>} : memref<32x768xf32, #tpu.memory_space<vmem>>, vector<1x16xf32>,
      %swap3A_457 = vector.shape_cast %swap3A_456 : vector<1x16xf32> to vector<16xf32>
      %swap3A_458 = vector.shape_cast %add3A_453 : vector<16xf32> to vector<1x16xf32>
      tpu.vector_store %arg8[%swap3A_454, %swap3A_455], %swap3A_458 {strides = array<i32>} : memref<32x768xf32, #tpu.memory_space<vmem>>, vector<1x16xf32>,
      %get3A_459 = arith.index_cast %scan3A_53 : i32 to index
      %get3A_460 = arith.constant 464 : index
      %get3A_461 = tpu.vector_load %arg8[%get3A_459, %get3A_460] {strides = array<i32>} : memref<32x768xf32, #tpu.memory_space<vmem>>, vector<1x16xf32>,
      %get3A_462 = vector.shape_cast %get3A_461 : vector<1x16xf32> to vector<16xf32>
      %get3A_463 = arith.index_cast %scan3A_53 : i32 to index
      %get3A_464 = arith.constant 464 : index
      %get3A_465 = tpu.vector_load %arg6[%get3A_463, %get3A_464] {strides = array<i32>} : memref<32x768xf32, #tpu.memory_space<vmem>>, vector<1x16xf32>,
      %get3A_466 = vector.shape_cast %get3A_465 : vector<1x16xf32> to vector<16xf32>
      %add3A_467 = arith.addf %get3A_462, %get3A_466 : vector<16xf32>
      %swap3A_468 = arith.index_cast %scan3A_53 : i32 to index
      %swap3A_469 = arith.constant 464 : index
      %swap3A_470 = tpu.vector_load %arg8[%swap3A_468, %swap3A_469] {strides = array<i32>} : memref<32x768xf32, #tpu.memory_space<vmem>>, vector<1x16xf32>,
      %swap3A_471 = vector.shape_cast %swap3A_470 : vector<1x16xf32> to vector<16xf32>
      %swap3A_472 = vector.shape_cast %add3A_467 : vector<16xf32> to vector<1x16xf32>
      tpu.vector_store %arg8[%swap3A_468, %swap3A_469], %swap3A_472 {strides = array<i32>} : memref<32x768xf32, #tpu.memory_space<vmem>>, vector<1x16xf32>,
      %get3A_473 = arith.index_cast %scan3A_53 : i32 to index
      %get3A_474 = arith.constant 480 : index
      %get3A_475 = tpu.vector_load %arg8[%get3A_473, %get3A_474] {strides = array<i32>} : memref<32x768xf32, #tpu.memory_space<vmem>>, vector<1x16xf32>,
      %get3A_476 = vector.shape_cast %get3A_475 : vector<1x16xf32> to vector<16xf32>
      %get3A_477 = arith.index_cast %scan3A_53 : i32 to index
      %get3A_478 = arith.constant 480 : index
      %get3A_479 = tpu.vector_load %arg6[%get3A_477, %get3A_478] {strides = array<i32>} : memref<32x768xf32, #tpu.memory_space<vmem>>, vector<1x16xf32>,
      %get3A_480 = vector.shape_cast %get3A_479 : vector<1x16xf32> to vector<16xf32>
      %add3A_481 = arith.addf %get3A_476, %get3A_480 : vector<16xf32>
      %swap3A_482 = arith.index_cast %scan3A_53 : i32 to index
      %swap3A_483 = arith.constant 480 : index
      %swap3A_484 = tpu.vector_load %arg8[%swap3A_482, %swap3A_483] {strides = array<i32>} : memref<32x768xf32, #tpu.memory_space<vmem>>, vector<1x16xf32>,
      %swap3A_485 = vector.shape_cast %swap3A_484 : vector<1x16xf32> to vector<16xf32>
      %swap3A_486 = vector.shape_cast %add3A_481 : vector<16xf32> to vector<1x16xf32>
      tpu.vector_store %arg8[%swap3A_482, %swap3A_483], %swap3A_486 {strides = array<i32>} : memref<32x768xf32, #tpu.memory_space<vmem>>, vector<1x16xf32>,
      %get3A_487 = arith.index_cast %scan3A_53 : i32 to index
      %get3A_488 = arith.constant 496 : index
      %get3A_489 = tpu.vector_load %arg8[%get3A_487, %get3A_488] {strides = array<i32>} : memref<32x768xf32, #tpu.memory_space<vmem>>, vector<1x16xf32>,
      %get3A_490 = vector.shape_cast %get3A_489 : vector<1x16xf32> to vector<16xf32>
      %get3A_491 = arith.index_cast %scan3A_53 : i32 to index
      %get3A_492 = arith.constant 496 : index
      %get3A_493 = tpu.vector_load %arg6[%get3A_491, %get3A_492] {strides = array<i32>} : memref<32x768xf32, #tpu.memory_space<vmem>>, vector<1x16xf32>,
      %get3A_494 = vector.shape_cast %get3A_493 : vector<1x16xf32> to vector<16xf32>
      %add3A_495 = arith.addf %get3A_490, %get3A_494 : vector<16xf32>
      %swap3A_496 = arith.index_cast %scan3A_53 : i32 to index
      %swap3A_497 = arith.constant 496 : index
      %swap3A_498 = tpu.vector_load %arg8[%swap3A_496, %swap3A_497] {strides = array<i32>} : memref<32x768xf32, #tpu.memory_space<vmem>>, vector<1x16xf32>,
      %swap3A_499 = vector.shape_cast %swap3A_498 : vector<1x16xf32> to vector<16xf32>
      %swap3A_500 = vector.shape_cast %add3A_495 : vector<16xf32> to vector<1x16xf32>
      tpu.vector_store %arg8[%swap3A_496, %swap3A_497], %swap3A_500 {strides = array<i32>} : memref<32x768xf32, #tpu.memory_space<vmem>>, vector<1x16xf32>,
      %get3A_501 = arith.index_cast %scan3A_53 : i32 to index
      %get3A_502 = arith.constant 512 : index
      %get3A_503 = tpu.vector_load %arg8[%get3A_501, %get3A_502] {strides = array<i32>} : memref<32x768xf32, #tpu.memory_space<vmem>>, vector<1x16xf32>,
      %get3A_504 = vector.shape_cast %get3A_503 : vector<1x16xf32> to vector<16xf32>
      %get3A_505 = arith.index_cast %scan3A_53 : i32 to index
      %get3A_506 = arith.constant 512 : index
      %get3A_507 = tpu.vector_load %arg6[%get3A_505, %get3A_506] {strides = array<i32>} : memref<32x768xf32, #tpu.memory_space<vmem>>, vector<1x16xf32>,
      %get3A_508 = vector.shape_cast %get3A_507 : vector<1x16xf32> to vector<16xf32>
      %add3A_509 = arith.addf %get3A_504, %get3A_508 : vector<16xf32>
      %swap3A_510 = arith.index_cast %scan3A_53 : i32 to index
      %swap3A_511 = arith.constant 512 : index
      %swap3A_512 = tpu.vector_load %arg8[%swap3A_510, %swap3A_511] {strides = array<i32>} : memref<32x768xf32, #tpu.memory_space<vmem>>, vector<1x16xf32>,
      %swap3A_513 = vector.shape_cast %swap3A_512 : vector<1x16xf32> to vector<16xf32>
      %swap3A_514 = vector.shape_cast %add3A_509 : vector<16xf32> to vector<1x16xf32>
      tpu.vector_store %arg8[%swap3A_510, %swap3A_511], %swap3A_514 {strides = array<i32>} : memref<32x768xf32, #tpu.memory_space<vmem>>, vector<1x16xf32>,
      %get3A_515 = arith.index_cast %scan3A_53 : i32 to index
      %get3A_516 = arith.constant 528 : index
      %get3A_517 = tpu.vector_load %arg8[%get3A_515, %get3A_516] {strides = array<i32>} : memref<32x768xf32, #tpu.memory_space<vmem>>, vector<1x16xf32>,
      %get3A_518 = vector.shape_cast %get3A_517 : vector<1x16xf32> to vector<16xf32>
      %get3A_519 = arith.index_cast %scan3A_53 : i32 to index
      %get3A_520 = arith.constant 528 : index
      %get3A_521 = tpu.vector_load %arg6[%get3A_519, %get3A_520] {strides = array<i32>} : memref<32x768xf32, #tpu.memory_space<vmem>>, vector<1x16xf32>,
      %get3A_522 = vector.shape_cast %get3A_521 : vector<1x16xf32> to vector<16xf32>
      %add3A_523 = arith.addf %get3A_518, %get3A_522 : vector<16xf32>
      %swap3A_524 = arith.index_cast %scan3A_53 : i32 to index
      %swap3A_525 = arith.constant 528 : index
      %swap3A_526 = tpu.vector_load %arg8[%swap3A_524, %swap3A_525] {strides = array<i32>} : memref<32x768xf32, #tpu.memory_space<vmem>>, vector<1x16xf32>,
      %swap3A_527 = vector.shape_cast %swap3A_526 : vector<1x16xf32> to vector<16xf32>
      %swap3A_528 = vector.shape_cast %add3A_523 : vector<16xf32> to vector<1x16xf32>
      tpu.vector_store %arg8[%swap3A_524, %swap3A_525], %swap3A_528 {strides = array<i32>} : memref<32x768xf32, #tpu.memory_space<vmem>>, vector<1x16xf32>,
      %get3A_529 = arith.index_cast %scan3A_53 : i32 to index
      %get3A_530 = arith.constant 544 : index
      %get3A_531 = tpu.vector_load %arg8[%get3A_529, %get3A_530] {strides = array<i32>} : memref<32x768xf32, #tpu.memory_space<vmem>>, vector<1x16xf32>,
      %get3A_532 = vector.shape_cast %get3A_531 : vector<1x16xf32> to vector<16xf32>
      %get3A_533 = arith.index_cast %scan3A_53 : i32 to index
      %get3A_534 = arith.constant 544 : index
      %get3A_535 = tpu.vector_load %arg6[%get3A_533, %get3A_534] {strides = array<i32>} : memref<32x768xf32, #tpu.memory_space<vmem>>, vector<1x16xf32>,
      %get3A_536 = vector.shape_cast %get3A_535 : vector<1x16xf32> to vector<16xf32>
      %add3A_537 = arith.addf %get3A_532, %get3A_536 : vector<16xf32>
      %swap3A_538 = arith.index_cast %scan3A_53 : i32 to index
      %swap3A_539 = arith.constant 544 : index
      %swap3A_540 = tpu.vector_load %arg8[%swap3A_538, %swap3A_539] {strides = array<i32>} : memref<32x768xf32, #tpu.memory_space<vmem>>, vector<1x16xf32>,
      %swap3A_541 = vector.shape_cast %swap3A_540 : vector<1x16xf32> to vector<16xf32>
      %swap3A_542 = vector.shape_cast %add3A_537 : vector<16xf32> to vector<1x16xf32>
      tpu.vector_store %arg8[%swap3A_538, %swap3A_539], %swap3A_542 {strides = array<i32>} : memref<32x768xf32, #tpu.memory_space<vmem>>, vector<1x16xf32>,
      %get3A_543 = arith.index_cast %scan3A_53 : i32 to index
      %get3A_544 = arith.constant 560 : index
      %get3A_545 = tpu.vector_load %arg8[%get3A_543, %get3A_544] {strides = array<i32>} : memref<32x768xf32, #tpu.memory_space<vmem>>, vector<1x16xf32>,
      %get3A_546 = vector.shape_cast %get3A_545 : vector<1x16xf32> to vector<16xf32>
      %get3A_547 = arith.index_cast %scan3A_53 : i32 to index
      %get3A_548 = arith.constant 560 : index
      %get3A_549 = tpu.vector_load %arg6[%get3A_547, %get3A_548] {strides = array<i32>} : memref<32x768xf32, #tpu.memory_space<vmem>>, vector<1x16xf32>,
      %get3A_550 = vector.shape_cast %get3A_549 : vector<1x16xf32> to vector<16xf32>
      %add3A_551 = arith.addf %get3A_546, %get3A_550 : vector<16xf32>
      %swap3A_552 = arith.index_cast %scan3A_53 : i32 to index
      %swap3A_553 = arith.constant 560 : index
      %swap3A_554 = tpu.vector_load %arg8[%swap3A_552, %swap3A_553] {strides = array<i32>} : memref<32x768xf32, #tpu.memory_space<vmem>>, vector<1x16xf32>,
      %swap3A_555 = vector.shape_cast %swap3A_554 : vector<1x16xf32> to vector<16xf32>
      %swap3A_556 = vector.shape_cast %add3A_551 : vector<16xf32> to vector<1x16xf32>
      tpu.vector_store %arg8[%swap3A_552, %swap3A_553], %swap3A_556 {strides = array<i32>} : memref<32x768xf32, #tpu.memory_space<vmem>>, vector<1x16xf32>,
      %get3A_557 = arith.index_cast %scan3A_53 : i32 to index
      %get3A_558 = arith.constant 576 : index
      %get3A_559 = tpu.vector_load %arg8[%get3A_557, %get3A_558] {strides = array<i32>} : memref<32x768xf32, #tpu.memory_space<vmem>>, vector<1x16xf32>,
      %get3A_560 = vector.shape_cast %get3A_559 : vector<1x16xf32> to vector<16xf32>
      %get3A_561 = arith.index_cast %scan3A_53 : i32 to index
      %get3A_562 = arith.constant 576 : index
      %get3A_563 = tpu.vector_load %arg6[%get3A_561, %get3A_562] {strides = array<i32>} : memref<32x768xf32, #tpu.memory_space<vmem>>, vector<1x16xf32>,
      %get3A_564 = vector.shape_cast %get3A_563 : vector<1x16xf32> to vector<16xf32>
      %add3A_565 = arith.addf %get3A_560, %get3A_564 : vector<16xf32>
      %swap3A_566 = arith.index_cast %scan3A_53 : i32 to index
      %swap3A_567 = arith.constant 576 : index
      %swap3A_568 = tpu.vector_load %arg8[%swap3A_566, %swap3A_567] {strides = array<i32>} : memref<32x768xf32, #tpu.memory_space<vmem>>, vector<1x16xf32>,
      %swap3A_569 = vector.shape_cast %swap3A_568 : vector<1x16xf32> to vector<16xf32>
      %swap3A_570 = vector.shape_cast %add3A_565 : vector<16xf32> to vector<1x16xf32>
      tpu.vector_store %arg8[%swap3A_566, %swap3A_567], %swap3A_570 {strides = array<i32>} : memref<32x768xf32, #tpu.memory_space<vmem>>, vector<1x16xf32>,
      %get3A_571 = arith.index_cast %scan3A_53 : i32 to index
      %get3A_572 = arith.constant 592 : index
      %get3A_573 = tpu.vector_load %arg8[%get3A_571, %get3A_572] {strides = array<i32>} : memref<32x768xf32, #tpu.memory_space<vmem>>, vector<1x16xf32>,
      %get3A_574 = vector.shape_cast %get3A_573 : vector<1x16xf32> to vector<16xf32>
      %get3A_575 = arith.index_cast %scan3A_53 : i32 to index
      %get3A_576 = arith.constant 592 : index
      %get3A_577 = tpu.vector_load %arg6[%get3A_575, %get3A_576] {strides = array<i32>} : memref<32x768xf32, #tpu.memory_space<vmem>>, vector<1x16xf32>,
      %get3A_578 = vector.shape_cast %get3A_577 : vector<1x16xf32> to vector<16xf32>
      %add3A_579 = arith.addf %get3A_574, %get3A_578 : vector<16xf32>
      %swap3A_580 = arith.index_cast %scan3A_53 : i32 to index
      %swap3A_581 = arith.constant 592 : index
      %swap3A_582 = tpu.vector_load %arg8[%swap3A_580, %swap3A_581] {strides = array<i32>} : memref<32x768xf32, #tpu.memory_space<vmem>>, vector<1x16xf32>,
      %swap3A_583 = vector.shape_cast %swap3A_582 : vector<1x16xf32> to vector<16xf32>
      %swap3A_584 = vector.shape_cast %add3A_579 : vector<16xf32> to vector<1x16xf32>
      tpu.vector_store %arg8[%swap3A_580, %swap3A_581], %swap3A_584 {strides = array<i32>} : memref<32x768xf32, #tpu.memory_space<vmem>>, vector<1x16xf32>,
      %get3A_585 = arith.index_cast %scan3A_53 : i32 to index
      %get3A_586 = arith.constant 608 : index
      %get3A_587 = tpu.vector_load %arg8[%get3A_585, %get3A_586] {strides = array<i32>} : memref<32x768xf32, #tpu.memory_space<vmem>>, vector<1x16xf32>,
      %get3A_588 = vector.shape_cast %get3A_587 : vector<1x16xf32> to vector<16xf32>
      %get3A_589 = arith.index_cast %scan3A_53 : i32 to index
      %get3A_590 = arith.constant 608 : index
      %get3A_591 = tpu.vector_load %arg6[%get3A_589, %get3A_590] {strides = array<i32>} : memref<32x768xf32, #tpu.memory_space<vmem>>, vector<1x16xf32>,
      %get3A_592 = vector.shape_cast %get3A_591 : vector<1x16xf32> to vector<16xf32>
      %add3A_593 = arith.addf %get3A_588, %get3A_592 : vector<16xf32>
      %swap3A_594 = arith.index_cast %scan3A_53 : i32 to index
      %swap3A_595 = arith.constant 608 : index
      %swap3A_596 = tpu.vector_load %arg8[%swap3A_594, %swap3A_595] {strides = array<i32>} : memref<32x768xf32, #tpu.memory_space<vmem>>, vector<1x16xf32>,
      %swap3A_597 = vector.shape_cast %swap3A_596 : vector<1x16xf32> to vector<16xf32>
      %swap3A_598 = vector.shape_cast %add3A_593 : vector<16xf32> to vector<1x16xf32>
      tpu.vector_store %arg8[%swap3A_594, %swap3A_595], %swap3A_598 {strides = array<i32>} : memref<32x768xf32, #tpu.memory_space<vmem>>, vector<1x16xf32>,
      %get3A_599 = arith.index_cast %scan3A_53 : i32 to index
      %get3A_600 = arith.constant 624 : index
      %get3A_601 = tpu.vector_load %arg8[%get3A_599, %get3A_600] {strides = array<i32>} : memref<32x768xf32, #tpu.memory_space<vmem>>, vector<1x16xf32>,
      %get3A_602 = vector.shape_cast %get3A_601 : vector<1x16xf32> to vector<16xf32>
      %get3A_603 = arith.index_cast %scan3A_53 : i32 to index
      %get3A_604 = arith.constant 624 : index
      %get3A_605 = tpu.vector_load %arg6[%get3A_603, %get3A_604] {strides = array<i32>} : memref<32x768xf32, #tpu.memory_space<vmem>>, vector<1x16xf32>,
      %get3A_606 = vector.shape_cast %get3A_605 : vector<1x16xf32> to vector<16xf32>
      %add3A_607 = arith.addf %get3A_602, %get3A_606 : vector<16xf32>
      %swap3A_608 = arith.index_cast %scan3A_53 : i32 to index
      %swap3A_609 = arith.constant 624 : index
      %swap3A_610 = tpu.vector_load %arg8[%swap3A_608, %swap3A_609] {strides = array<i32>} : memref<32x768xf32, #tpu.memory_space<vmem>>, vector<1x16xf32>,
      %swap3A_611 = vector.shape_cast %swap3A_610 : vector<1x16xf32> to vector<16xf32>
      %swap3A_612 = vector.shape_cast %add3A_607 : vector<16xf32> to vector<1x16xf32>
      tpu.vector_store %arg8[%swap3A_608, %swap3A_609], %swap3A_612 {strides = array<i32>} : memref<32x768xf32, #tpu.memory_space<vmem>>, vector<1x16xf32>,
      %get3A_613 = arith.index_cast %scan3A_53 : i32 to index
      %get3A_614 = arith.constant 640 : index
      %get3A_615 = tpu.vector_load %arg8[%get3A_613, %get3A_614] {strides = array<i32>} : memref<32x768xf32, #tpu.memory_space<vmem>>, vector<1x16xf32>,
      %get3A_616 = vector.shape_cast %get3A_615 : vector<1x16xf32> to vector<16xf32>
      %get3A_617 = arith.index_cast %scan3A_53 : i32 to index
      %get3A_618 = arith.constant 640 : index
      %get3A_619 = tpu.vector_load %arg6[%get3A_617, %get3A_618] {strides = array<i32>} : memref<32x768xf32, #tpu.memory_space<vmem>>, vector<1x16xf32>,
      %get3A_620 = vector.shape_cast %get3A_619 : vector<1x16xf32> to vector<16xf32>
      %add3A_621 = arith.addf %get3A_616, %get3A_620 : vector<16xf32>
      %swap3A_622 = arith.index_cast %scan3A_53 : i32 to index
      %swap3A_623 = arith.constant 640 : index
      %swap3A_624 = tpu.vector_load %arg8[%swap3A_622, %swap3A_623] {strides = array<i32>} : memref<32x768xf32, #tpu.memory_space<vmem>>, vector<1x16xf32>,
      %swap3A_625 = vector.shape_cast %swap3A_624 : vector<1x16xf32> to vector<16xf32>
      %swap3A_626 = vector.shape_cast %add3A_621 : vector<16xf32> to vector<1x16xf32>
      tpu.vector_store %arg8[%swap3A_622, %swap3A_623], %swap3A_626 {strides = array<i32>} : memref<32x768xf32, #tpu.memory_space<vmem>>, vector<1x16xf32>,
      %get3A_627 = arith.index_cast %scan3A_53 : i32 to index
      %get3A_628 = arith.constant 656 : index
      %get3A_629 = tpu.vector_load %arg8[%get3A_627, %get3A_628] {strides = array<i32>} : memref<32x768xf32, #tpu.memory_space<vmem>>, vector<1x16xf32>,
      %get3A_630 = vector.shape_cast %get3A_629 : vector<1x16xf32> to vector<16xf32>
      %get3A_631 = arith.index_cast %scan3A_53 : i32 to index
      %get3A_632 = arith.constant 656 : index
      %get3A_633 = tpu.vector_load %arg6[%get3A_631, %get3A_632] {strides = array<i32>} : memref<32x768xf32, #tpu.memory_space<vmem>>, vector<1x16xf32>,
      %get3A_634 = vector.shape_cast %get3A_633 : vector<1x16xf32> to vector<16xf32>
      %add3A_635 = arith.addf %get3A_630, %get3A_634 : vector<16xf32>
      %swap3A_636 = arith.index_cast %scan3A_53 : i32 to index
      %swap3A_637 = arith.constant 656 : index
      %swap3A_638 = tpu.vector_load %arg8[%swap3A_636, %swap3A_637] {strides = array<i32>} : memref<32x768xf32, #tpu.memory_space<vmem>>, vector<1x16xf32>,
      %swap3A_639 = vector.shape_cast %swap3A_638 : vector<1x16xf32> to vector<16xf32>
      %swap3A_640 = vector.shape_cast %add3A_635 : vector<16xf32> to vector<1x16xf32>
      tpu.vector_store %arg8[%swap3A_636, %swap3A_637], %swap3A_640 {strides = array<i32>} : memref<32x768xf32, #tpu.memory_space<vmem>>, vector<1x16xf32>,
      %get3A_641 = arith.index_cast %scan3A_53 : i32 to index
      %get3A_642 = arith.constant 672 : index
      %get3A_643 = tpu.vector_load %arg8[%get3A_641, %get3A_642] {strides = array<i32>} : memref<32x768xf32, #tpu.memory_space<vmem>>, vector<1x16xf32>,
      %get3A_644 = vector.shape_cast %get3A_643 : vector<1x16xf32> to vector<16xf32>
      %get3A_645 = arith.index_cast %scan3A_53 : i32 to index
      %get3A_646 = arith.constant 672 : index
      %get3A_647 = tpu.vector_load %arg6[%get3A_645, %get3A_646] {strides = array<i32>} : memref<32x768xf32, #tpu.memory_space<vmem>>, vector<1x16xf32>,
      %get3A_648 = vector.shape_cast %get3A_647 : vector<1x16xf32> to vector<16xf32>
      %add3A_649 = arith.addf %get3A_644, %get3A_648 : vector<16xf32>
      %swap3A_650 = arith.index_cast %scan3A_53 : i32 to index
      %swap3A_651 = arith.constant 672 : index
      %swap3A_652 = tpu.vector_load %arg8[%swap3A_650, %swap3A_651] {strides = array<i32>} : memref<32x768xf32, #tpu.memory_space<vmem>>, vector<1x16xf32>,
      %swap3A_653 = vector.shape_cast %swap3A_652 : vector<1x16xf32> to vector<16xf32>
      %swap3A_654 = vector.shape_cast %add3A_649 : vector<16xf32> to vector<1x16xf32>
      tpu.vector_store %arg8[%swap3A_650, %swap3A_651], %swap3A_654 {strides = array<i32>} : memref<32x768xf32, #tpu.memory_space<vmem>>, vector<1x16xf32>,
      %get3A_655 = arith.index_cast %scan3A_53 : i32 to index
      %get3A_656 = arith.constant 688 : index
      %get3A_657 = tpu.vector_load %arg8[%get3A_655, %get3A_656] {strides = array<i32>} : memref<32x768xf32, #tpu.memory_space<vmem>>, vector<1x16xf32>,
      %get3A_658 = vector.shape_cast %get3A_657 : vector<1x16xf32> to vector<16xf32>
      %get3A_659 = arith.index_cast %scan3A_53 : i32 to index
      %get3A_660 = arith.constant 688 : index
      %get3A_661 = tpu.vector_load %arg6[%get3A_659, %get3A_660] {strides = array<i32>} : memref<32x768xf32, #tpu.memory_space<vmem>>, vector<1x16xf32>,
      %get3A_662 = vector.shape_cast %get3A_661 : vector<1x16xf32> to vector<16xf32>
      %add3A_663 = arith.addf %get3A_658, %get3A_662 : vector<16xf32>
      %swap3A_664 = arith.index_cast %scan3A_53 : i32 to index
      %swap3A_665 = arith.constant 688 : index
      %swap3A_666 = tpu.vector_load %arg8[%swap3A_664, %swap3A_665] {strides = array<i32>} : memref<32x768xf32, #tpu.memory_space<vmem>>, vector<1x16xf32>,
      %swap3A_667 = vector.shape_cast %swap3A_666 : vector<1x16xf32> to vector<16xf32>
      %swap3A_668 = vector.shape_cast %add3A_663 : vector<16xf32> to vector<1x16xf32>
      tpu.vector_store %arg8[%swap3A_664, %swap3A_665], %swap3A_668 {strides = array<i32>} : memref<32x768xf32, #tpu.memory_space<vmem>>, vector<1x16xf32>,
      %get3A_669 = arith.index_cast %scan3A_53 : i32 to index
      %get3A_670 = arith.constant 704 : index
      %get3A_671 = tpu.vector_load %arg8[%get3A_669, %get3A_670] {strides = array<i32>} : memref<32x768xf32, #tpu.memory_space<vmem>>, vector<1x16xf32>,
      %get3A_672 = vector.shape_cast %get3A_671 : vector<1x16xf32> to vector<16xf32>
      %get3A_673 = arith.index_cast %scan3A_53 : i32 to index
      %get3A_674 = arith.constant 704 : index
      %get3A_675 = tpu.vector_load %arg6[%get3A_673, %get3A_674] {strides = array<i32>} : memref<32x768xf32, #tpu.memory_space<vmem>>, vector<1x16xf32>,
      %get3A_676 = vector.shape_cast %get3A_675 : vector<1x16xf32> to vector<16xf32>
      %add3A_677 = arith.addf %get3A_672, %get3A_676 : vector<16xf32>
      %swap3A_678 = arith.index_cast %scan3A_53 : i32 to index
      %swap3A_679 = arith.constant 704 : index
      %swap3A_680 = tpu.vector_load %arg8[%swap3A_678, %swap3A_679] {strides = array<i32>} : memref<32x768xf32, #tpu.memory_space<vmem>>, vector<1x16xf32>,
      %swap3A_681 = vector.shape_cast %swap3A_680 : vector<1x16xf32> to vector<16xf32>
      %swap3A_682 = vector.shape_cast %add3A_677 : vector<16xf32> to vector<1x16xf32>
      tpu.vector_store %arg8[%swap3A_678, %swap3A_679], %swap3A_682 {strides = array<i32>} : memref<32x768xf32, #tpu.memory_space<vmem>>, vector<1x16xf32>,
      %get3A_683 = arith.index_cast %scan3A_53 : i32 to index
      %get3A_684 = arith.constant 720 : index
      %get3A_685 = tpu.vector_load %arg8[%get3A_683, %get3A_684] {strides = array<i32>} : memref<32x768xf32, #tpu.memory_space<vmem>>, vector<1x16xf32>,
      %get3A_686 = vector.shape_cast %get3A_685 : vector<1x16xf32> to vector<16xf32>
      %get3A_687 = arith.index_cast %scan3A_53 : i32 to index
      %get3A_688 = arith.constant 720 : index
      %get3A_689 = tpu.vector_load %arg6[%get3A_687, %get3A_688] {strides = array<i32>} : memref<32x768xf32, #tpu.memory_space<vmem>>, vector<1x16xf32>,
      %get3A_690 = vector.shape_cast %get3A_689 : vector<1x16xf32> to vector<16xf32>
      %add3A_691 = arith.addf %get3A_686, %get3A_690 : vector<16xf32>
      %swap3A_692 = arith.index_cast %scan3A_53 : i32 to index
      %swap3A_693 = arith.constant 720 : index
      %swap3A_694 = tpu.vector_load %arg8[%swap3A_692, %swap3A_693] {strides = array<i32>} : memref<32x768xf32, #tpu.memory_space<vmem>>, vector<1x16xf32>,
      %swap3A_695 = vector.shape_cast %swap3A_694 : vector<1x16xf32> to vector<16xf32>
      %swap3A_696 = vector.shape_cast %add3A_691 : vector<16xf32> to vector<1x16xf32>
      tpu.vector_store %arg8[%swap3A_692, %swap3A_693], %swap3A_696 {strides = array<i32>} : memref<32x768xf32, #tpu.memory_space<vmem>>, vector<1x16xf32>,
      %get3A_697 = arith.index_cast %scan3A_53 : i32 to index
      %get3A_698 = arith.constant 736 : index
      %get3A_699 = tpu.vector_load %arg8[%get3A_697, %get3A_698] {strides = array<i32>} : memref<32x768xf32, #tpu.memory_space<vmem>>, vector<1x16xf32>,
      %get3A_700 = vector.shape_cast %get3A_699 : vector<1x16xf32> to vector<16xf32>
      %get3A_701 = arith.index_cast %scan3A_53 : i32 to index
      %get3A_702 = arith.constant 736 : index
      %get3A_703 = tpu.vector_load %arg6[%get3A_701, %get3A_702] {strides = array<i32>} : memref<32x768xf32, #tpu.memory_space<vmem>>, vector<1x16xf32>,
      %get3A_704 = vector.shape_cast %get3A_703 : vector<1x16xf32> to vector<16xf32>
      %add3A_705 = arith.addf %get3A_700, %get3A_704 : vector<16xf32>
      %swap3A_706 = arith.index_cast %scan3A_53 : i32 to index
      %swap3A_707 = arith.constant 736 : index
      %swap3A_708 = tpu.vector_load %arg8[%swap3A_706, %swap3A_707] {strides = array<i32>} : memref<32x768xf32, #tpu.memory_space<vmem>>, vector<1x16xf32>,
      %swap3A_709 = vector.shape_cast %swap3A_708 : vector<1x16xf32> to vector<16xf32>
      %swap3A_710 = vector.shape_cast %add3A_705 : vector<16xf32> to vector<1x16xf32>
      tpu.vector_store %arg8[%swap3A_706, %swap3A_707], %swap3A_710 {strides = array<i32>} : memref<32x768xf32, #tpu.memory_space<vmem>>, vector<1x16xf32>,
      %get3A_711 = arith.index_cast %scan3A_53 : i32 to index
      %get3A_712 = arith.constant 752 : index
      %get3A_713 = tpu.vector_load %arg8[%get3A_711, %get3A_712] {strides = array<i32>} : memref<32x768xf32, #tpu.memory_space<vmem>>, vector<1x16xf32>,
      %get3A_714 = vector.shape_cast %get3A_713 : vector<1x16xf32> to vector<16xf32>
      %get3A_715 = arith.index_cast %scan3A_53 : i32 to index
      %get3A_716 = arith.constant 752 : index
      %get3A_717 = tpu.vector_load %arg6[%get3A_715, %get3A_716] {strides = array<i32>} : memref<32x768xf32, #tpu.memory_space<vmem>>, vector<1x16xf32>,
      %get3A_718 = vector.shape_cast %get3A_717 : vector<1x16xf32> to vector<16xf32>
      %add3A_719 = arith.addf %get3A_714, %get3A_718 : vector<16xf32>
      %swap3A_720 = arith.index_cast %scan3A_53 : i32 to index
      %swap3A_721 = arith.constant 752 : index
      %swap3A_722 = tpu.vector_load %arg8[%swap3A_720, %swap3A_721] {strides = array<i32>} : memref<32x768xf32, #tpu.memory_space<vmem>>, vector<1x16xf32>,
      %swap3A_723 = vector.shape_cast %swap3A_722 : vector<1x16xf32> to vector<16xf32>
      %swap3A_724 = vector.shape_cast %add3A_719 : vector<16xf32> to vector<1x16xf32>
      tpu.vector_store %arg8[%swap3A_720, %swap3A_721], %swap3A_724 {strides = array<i32>} : memref<32x768xf32, #tpu.memory_space<vmem>>, vector<1x16xf32>,
      %scan3A_725 = arith.constant 0 : i32
      scf.yield %scan3A_725 : i32
    }
    %scan3A_49 = arith.constant 32 : i32
    %add3A_50 = arith.constant 32 : i32
    %add3A_51 = arith.addi %mul3A_2, %add3A_50 : i32
    %run_scoped3A_52 = arith.constant 0 : i32
    "tpu.region"() ({
      %run_scoped3A_53 = tpu.sem_alloc : memref<!tpu.dma_semaphore, #tpu.memory_space<semaphore_mem>>
      %dma_start3A_54 = arith.constant 0 : i32
      %dma_start3A_55 = tpu.memref_slice %arg4[%run_scoped3A_52, %add3A_51, %dma_start3A_54] : memref<1x2048x768xf32, #tpu.memory_space<hbm>> -> memref<1x32x768xf32, #tpu.memory_space<hbm>>
      %dma_start3A_56 = tpu.memref_squeeze %dma_start3A_55 : memref<1x32x768xf32, #tpu.memory_space<hbm>> -> memref<32x768xf32, #tpu.memory_space<hbm>>
      %dma_start3A_57 = arith.constant 0 : i32
      %dma_start3A_58 = tpu.memref_slice %arg4[%run_scoped3A_52, %add3A_51, %dma_start3A_57] : memref<1x2048x768xf32, #tpu.memory_space<hbm>> -> memref<1x32x768xf32, #tpu.memory_space<hbm>>
      %dma_start3A_59 = tpu.memref_squeeze %dma_start3A_58 : memref<1x32x768xf32, #tpu.memory_space<hbm>> -> memref<32x768xf32, #tpu.memory_space<hbm>>
      tpu.enqueue_dma source(%arg8 : memref<32x768xf32, #tpu.memory_space<vmem>>) target(%dma_start3A_59 : memref<32x768xf32, #tpu.memory_space<hbm>>) target_semaphore(%run_scoped3A_53 : memref<!tpu.dma_semaphore, #tpu.memory_space<semaphore_mem>>)
      %dma_wait3A_60 = arith.constant 0 : i32
      %dma_wait3A_61 = tpu.memref_slice %arg4[%run_scoped3A_52, %add3A_51, %dma_wait3A_60] : memref<1x2048x768xf32, #tpu.memory_space<hbm>> -> memref<1x32x768xf32, #tpu.memory_space<hbm>>
      %dma_wait3A_62 = tpu.memref_squeeze %dma_wait3A_61 : memref<1x32x768xf32, #tpu.memory_space<hbm>> -> memref<32x768xf32, #tpu.memory_space<hbm>>
      %dma_wait3A_63 = arith.constant 0 : i32
      %dma_wait3A_64 = tpu.memref_slice %arg4[%run_scoped3A_52, %add3A_51, %dma_wait3A_63] : memref<1x2048x768xf32, #tpu.memory_space<hbm>> -> memref<1x32x768xf32, #tpu.memory_space<hbm>>
      %dma_wait3A_65 = tpu.memref_squeeze %dma_wait3A_64 : memref<1x32x768xf32, #tpu.memory_space<hbm>> -> memref<32x768xf32, #tpu.memory_space<hbm>>
      tpu.wait_dma2 semaphore(%run_scoped3A_53 : memref<!tpu.dma_semaphore, #tpu.memory_space<semaphore_mem>>) src(%arg8 : memref<32x768xf32, #tpu.memory_space<vmem>>) dst(%dma_wait3A_65 : memref<32x768xf32, #tpu.memory_space<hbm>>)
      tpu.yield
    }) : () -> ()
    return
  }
}

module attributes {stable_mosaic.version = 14 : i64} {
  func.func @_tc_add(%arg0: i32, %arg1: memref<1x2048x768xf32, #tpu.memory_space<vmem>>, %arg2: memref<2048x768xf32, #tpu.memory_space<vmem>>, %arg3: memref<1x2048x768xf32, #tpu.memory_space<vmem>>) attributes {dimension_semantics = [#tpu.dimension_semantics<parallel>], iteration_bounds = array<i64: 3>, scalar_prefetch = 0 : i64, scratch_operands = 0 : i64, tpu.core_type = #tpu.core_type<tc>, window_params = [{transform_indices = @transform_0, window_bounds = array<i64: 1, 2048, 768>}, {pipeline_mode = #tpu.pipeline_mode<synchronous>, transform_indices = @transform_1, window_bounds = array<i64: 2048, 768>}, {transform_indices = @transform_2, window_bounds = array<i64: 1, 2048, 768>}]} {
    %get3A = arith.constant 0 : index
    %get3A_0 = arith.constant 0 : index
    %get3A_1 = arith.constant 0 : index
    %get3A_2 = vector.load %arg1[%get3A, %get3A_0, %get3A_1] : memref<1x2048x768xf32, #tpu.memory_space<vmem>>, vector<1x2048x768xf32>
    %get3A_3 = arith.constant 0 : index
    %get3A_4 = arith.constant 0 : index
    %get3A_5 = vector.load %arg2[%get3A_3, %get3A_4] : memref<2048x768xf32, #tpu.memory_space<vmem>>, vector<2048x768xf32>
    %broadcast_in_dim3A = vector.shape_cast %get3A_5 : vector<2048x768xf32> to vector<1x2048x768xf32>
    %add3A = arith.addf %get3A_2, %broadcast_in_dim3A : vector<1x2048x768xf32>
    %swap3A = arith.constant 0 : index
    %swap3A_6 = arith.constant 0 : index
    %swap3A_7 = arith.constant 0 : index
    %swap3A_8 = vector.load %arg3[%swap3A, %swap3A_6, %swap3A_7] : memref<1x2048x768xf32, #tpu.memory_space<vmem>>, vector<1x2048x768xf32>
    tpu.vector_store %arg3[%swap3A, %swap3A_6, %swap3A_7], %add3A {strides = array<i32>} : memref<1x2048x768xf32, #tpu.memory_space<vmem>>, vector<1x2048x768xf32>,
    return
  }
  func.func @transform_0(%arg0: i32) -> (i32, i32, i32) {
    %c0_i32 = arith.constant 0 : i32
    %c0_i32_0 = arith.constant 0 : i32
    %c0_i32_1 = arith.constant 0 : i32
    return %arg0, %c0_i32, %c0_i32_0 : i32, i32, i32
  }
  func.func @transform_1(%arg0: i32) -> (i32, i32) {
    %c0_i32 = arith.constant 0 : i32
    %c0_i32_0 = arith.constant 0 : i32
    %c0_i32_1 = arith.constant 0 : i32
    return %c0_i32, %c0_i32_0 : i32, i32
  }
  func.func @transform_2(%arg0: i32) -> (i32, i32, i32) {
    %c0_i32 = arith.constant 0 : i32
    %c0_i32_0 = arith.constant 0 : i32
    %c0_i32_1 = arith.constant 0 : i32
    return %arg0, %c0_i32, %c0_i32_0 : i32, i32, i32
  }
}

</mosaic_0001>

<sc_bundles>
// kernel: kernel.4.cloned.1.call-start
scs
__scs_entry_jumppad:
0x0: {  	(pc) =	sbr.rel $0x88, $3  }
0x1: {  	(tag) =	ssettag $0x0;
	lr =	simm.s32 $0x1  }
0x2: {  	[smem:$0x3F9F] =	sst lr;
	_ =	strace $0xD0000000  }
0x3: {  	_ = 	snop  }
0x4: {  	_ = 	snop  }
0x5: {  	_ = 	snop  }
0x6: {  	_ = 	snop  }
0x7: {  	_ = 	snop  }
__scs_overlays_trampoline_lowered:
0x8: {  	[smem:$0x3FAE] =	sst s0  }
0x9: {  	[smem:$0x3FAF] =	sst s1  }
0xa: {  	[smem:$0x3FB0] =	sst s2  }
0xb: {  	[smem:$0x3FB1] =	sst s3  }
0xc: {  	[smem:$0x3FB2] =	sst s4  }
0xd: {  	[smem:$0x3FB3] =	sst s5  }
0xe: {  	[smem:$0x3FB4] =	sst s6  }
0xf: {  	[smem:$0x3FB5] =	sst s7  }
0x10: {  	[smem:$0x3FB6] =	sst s8  }
0x11: {  	[smem:$0x3FB7] =	sst s9;
	s0 =	simm.s32 @!p0 $0x0  }
0x12: {  	s1 =	sld [smem:$0x3F9D];
	s0 =	simm.s32 @p0 $0x1  }
0x13: {  	[smem:$0x3FB8] =	sst s0;
	s0 =	simm.s32 @!p1 $0x0  }
0x14: {  	s2 =	sld [smem:$0x3F9C];
	s0 =	simm.s32 @p1 $0x1  }
0x15: {  	[smem:$0x3FB9] =	sst s0;
	s0 =	simm.s32 @!p2 $0x0  }
0x16: {  	s3 =	sld [smem:$0x3FDB];
	s0 =	simm.s32 @p2 $0x1  }
0x17: {  	s4 =	simm.s32 $0x1BF5;
	[smem:$0x3FBB] =	sst s0  }
0x18: {  	s0 =	sld [smem:$0x3F9E];
	_ =	swait.ge [sflag:s4], $0x0  }
0x19: {  	s7 =	sld [smem:$0x3F9F]  }
0x1a: {  	s8 =	sadd.s32 $0xFFFFE003, lr  }
0x1b: {  	s9 =	sadd.s32 $0xFFFFFEF7, lr;
	s5 =	simm.s32 $0xFFFFFFFF;
	p2 =	slt.u32 s8, $0xFFFFF086  }
0x1c: {  	p1 =	slt.u32 s9, $0xF7A;
	s5 =	simm.s32 @!p2 $0x0  }
0x1d: {  	s5 =	simm.s32 @p1 $0x1;
	p0 =	seq.s32 s7, s2  }
0x1e: {  	s7 =	smul.u32 @!p0 $0xF7A, s2;
	p2 =	seq.s32 @!p0 s5, $0x0  }
0x1f: {  	s9 =	smul.u32 $0xF7A, s1;
	s8 =	simm.s32 @!p0 $0x1BF5;
	p2 =	por !p2, p0  }
0x20: {  	[sflag:s8] =	ssyncset.s32 @!p0 $0xFFFFF086;
	s6 =	sadd.s32 @!p0 s3, s7;
	s7 =	simm.s32 @!p0 $0x108  }
0x21: {  	s3 =	sadd.s32 s3, s9;
	s6 =	sadd.s32 @!p0 $0x88, s6;
	s7 =	simm.s32 @p2 $0x1082  }
0x22: {  	[simem:s7], [sflag:s8] =	dma.local @!p0 [hbm:s6], $0xF7A  }
0x23: {  	s9 =	sor.u32 $0xD0000000, s2;
	s6 =	simm.s32 $0x108;
	_ =	swait.ge @!p0 [sflag:s8], $0x0  }
0x24: {  	s3 =	sadd.s32 $0x88, s3;
	s6 =	simm.s32 @!p1 $0x1082;
	[sflag:s4] =	ssyncset.s32 $0xFFFFF086  }
0x25: {  	[simem:s6], [sflag:s4] =	dma.local [hbm:s3], $0xF7A  }
0x26: {  	[smem:$0x3F9F] =	sst s1;
	(tag) =	ssettag s2;
	_ =	strace s9  }
0x27: {  	s1 =	sld [smem:$0x3FAF]  }
0x28: {  	s2 =	sld [smem:$0x3FB0]  }
0x29: {  	s4 =	sld [smem:$0x3FB2]  }
0x2a: {  	p0 =	seq.s32 s5, $0x0;
	s5 =	sld [smem:$0x3FB3]  }
0x2b: {  	s6 =	sld [smem:$0x3FB4]  }
0x2c: {  	s7 =	sld [smem:$0x3FB5]  }
0x2d: {  	s3 =	simm.s32 $0x108;
	s8 =	sld [smem:$0x3FB6]  }
0x2e: {  	s3 =	simm.s32 @!p0 $0x1082;
	s9 =	sld [smem:$0x3FB7]  }
0x2f: {  	lr =	sadd.s32 s0, s3;
	s0 =	sld [smem:$0x3FAE]  }
0x30: {  	s3 =	sld [smem:$0x3FB1]  }
0x31: {  	[smem:$0x3FBA] =	sst s10  }
0x32: {  	s10 =	sld [smem:$0x3FB8];
	_ =	sdelay $0x3  }
0x33: {  	p0 =	seq.s32 s10, $0x1;
	s10 =	sld [smem:$0x3FBA];
	_ =	sdelay $0x3  }
0x34: {  	[smem:$0x3FBA] =	sst s10  }
0x35: {  	s10 =	sld [smem:$0x3FB9];
	_ =	sdelay $0x3  }
0x36: {  	p1 =	seq.s32 s10, $0x1;
	s10 =	sld [smem:$0x3FBA];
	_ =	sdelay $0x3  }
0x37: {  	[smem:$0x3FBA] =	sst s10  }
0x38: {  	s10 =	sld [smem:$0x3FBB]  }
0x39: {  	_ = 	snop;
	(pc) =	sbr.ind lr, $3  }
0x3a: {  	_ = 	snop  }
0x3b: {  	_ = 	snop  }
0x3c: {  	p2 =	seq.s32 s10, $0x1;
	s10 =	sld [smem:$0x3FBA]  }
0x3d: {  	_ =	shalt  }
0x3e: {  	_ =	shalt  }
0x3f: {  	_ =	shalt  }
0x40: {  	_ =	shalt  }
0x41: {  	_ =	shalt  }
0x42: {  	_ =	shalt  }
0x43: {  	_ =	shalt  }
0x44: {  	_ =	shalt  }
0x45: {  	_ =	shalt  }
0x46: {  	_ =	shalt  }
0x47: {  	_ =	shalt  }
0x48: {  	_ =	shalt  }
0x49: {  	_ =	shalt  }
0x4a: {  	_ =	shalt  }
0x4b: {  	_ =	shalt  }
0x4c: {  	_ =	shalt  }
0x4d: {  	_ =	shalt  }
0x4e: {  	_ =	shalt  }
0x4f: {  	_ =	shalt  }
0x50: {  	_ =	shalt  }
0x51: {  	_ =	shalt  }
0x52: {  	_ =	shalt  }
0x53: {  	_ =	shalt  }
0x54: {  	_ =	shalt  }
0x55: {  	_ =	shalt  }
0x56: {  	_ =	shalt  }
0x57: {  	_ =	shalt  }
0x58: {  	_ =	shalt  }
0x59: {  	_ =	shalt  }
0x5a: {  	_ =	shalt  }
0x5b: {  	_ =	shalt  }
0x5c: {  	_ =	shalt  }
0x5d: {  	_ =	shalt  }
0x5e: {  	_ =	shalt  }
0x5f: {  	_ =	shalt  }
0x60: {  	_ =	shalt  }
0x61: {  	_ =	shalt  }
0x62: {  	_ =	shalt  }
0x63: {  	_ =	shalt  }
0x64: {  	_ =	shalt  }
0x65: {  	_ =	shalt  }
0x66: {  	_ =	shalt  }
0x67: {  	_ =	shalt  }
0x68: {  	_ =	shalt  }
0x69: {  	_ =	shalt  }
0x6a: {  	_ =	shalt  }
0x6b: {  	_ =	shalt  }
0x6c: {  	_ =	shalt  }
0x6d: {  	_ =	shalt  }
0x6e: {  	_ =	shalt  }
0x6f: {  	_ =	shalt  }
0x70: {  	_ =	shalt  }
0x71: {  	_ =	shalt  }
0x72: {  	_ =	shalt  }
0x73: {  	_ =	shalt  }
0x74: {  	_ =	shalt  }
0x75: {  	_ =	shalt  }
0x76: {  	_ =	shalt  }
0x77: {  	_ =	shalt  }
0x78: {  	_ =	shalt  }
0x79: {  	_ =	shalt  }
0x7a: {  	_ =	shalt  }
0x7b: {  	_ =	shalt  }
0x7c: {  	_ =	shalt  }
0x7d: {  	_ =	shalt  }
0x7e: {  	_ =	shalt  }
0x7f: {  	_ =	shalt  }
0x80: {  	_ =	shalt  }
0x81: {  	_ =	shalt  }
0x82: {  	_ =	shalt  }
0x83: {  	_ =	shalt  }
0x84: {  	_ =	shalt  }
0x85: {  	_ =	shalt  }
0x86: {  	_ =	shalt  }
0x87: {  	_ =	shalt  }
.Lfunc_end0:
.L_simem_size_0:
called_computation_lowered:
.L_overlay_start_0:
0x88: {  	s2 =	sld [smem:$0x3FD9]  }
0x89: {  	s3 =	sld [smem:$0x3FFE];
	_ =	sdelay $0x1  }
0x8a: {  	s1 =	srdreg.scid  }
0x8b: {  	s0 =	sand.u32 $0x1, s1  }
0x8c: {  	s17 =	sshll.u32 s0, $0xA;
	s2 =	sadd.s32 s3, s2  }
0x8d: {  	s2 =	sadd.s32 s2, s17  }
0x8e: {  	[smem:$0x3FC6] =	sst s2  }
0x8f: {  	_ = 	snop  }
0x90: {  	s2 =	sld [smem:$0x3FC9]  }
0x91: {  	s18 =	sld [smem:$0x3FC8];
	(tm) =	ssettm $0x1  }
0x92: {  	s4 =	sld [smem:$0x3FFB];
	_ =	sdelay $0x3  }
0x93: {  	_ =	strace s4  }
0x94: {  	s4 =	sld [smem:$0x3FFC];
	_ =	sdelay $0x3  }
0x95: {  	_ =	strace s4  }
0x96: {  	s4 =	sld [smem:$0x3FFD];
	_ =	sdelay $0x3  }
0x97: {  	_ =	strace s4  }
0x98: {  	_ =	strace $0x8FFFFFFF  }
0x99: {  	s19 =	sld [smem:$0x3FDB];
	_ =	sdelay $0x1  }
0x9a: {  	s5 =	simm.s32 $_scs_section_size  }
0x9b: {  	s6 =	simm.s32 $_size__tile_overlayer_lowered;
	s7 =	simm.s32 $_tile_overlayer_lowered  }
0x9c: {  	s22 =	simm.s32 $0x1BFF;
	s21 =	sshll.u32 s7, $0x1;
	s4 =	sadd.s32 s5, s19  }
0x9d: {  	s8 =	simm.s32 $0x0;
	s20 =	sshll.u32 s6, $0x1;
	s6 =	sadd.s32 s21, s4  }
0x9e: {  	[timem:s8], [sflag:s22] =	dma.local [hbm:s6], s20  }
0x9f: {  	_ =	swait.ge [sflag:s22], s20  }
0xa0: {  	s5 =	ssub.s32 $0x0, s20;
	[sflag:s22] =	ssyncset.done $0x0  }
0xa1: {  	[sflag:s22] =	ssyncadd.s32 s5;
	_ =	sdelay $0x1  }
0xa2: {  	s23 =	simm.s32 $0x1B8B  }
0xa3: {  	_ =	swait.ge [sflag:s23], $0x1  }
0xa4: {  	[sflag:s23] =	ssyncset.done $0x0  }
0xa5: {  	s25 =	simm.s32 $0x1B8E;
	s24 =	sld [smem:$0x3FFE];
	[sflag:s23] =	ssyncadd.s32 $0xFFFFFFFF  }
0xa6: {  	s26 =	simm.s32 $execute0_lowered;
	[smem:$0x3FD2] =	sst s25  }
0xa7: {  	s6 =	sshll.u32 s26, $0x1;
	_ =	strace $0x80000046;
	[dreg:$0x1] =	wrdreg $0xFFFFFFFF  }
0xa8: {  	s28 =	simm.s32 $_size_execute0_lowered;
	s4 =	sadd.s32 s4, s6;
	[dreg:$0x0] =	wrdreg $0x0  }
0xa9: {  	s6 =	sshll.u32 s28, $0x1;
	[dreg:$0x2] =	wrdreg s4  }
0xaa: {  	[dreg:$0x3] =	wrdreg s6  }
0xab: {  	[dreg:$0x4] =	wrdreg $0xC0  }
0xac: {  	_ =	task [dreg:s8], $0x5FFFF  }
0xad: {  	[dreg:$0x1] =	wrdreg $0xFFFFFFFF  }
0xae: {  	[dreg:$0x0] =	wrdreg $0x60  }
0xaf: {  	[dreg:$0x2] =	wrdreg s2  }
0xb0: {  	[dreg:$0x3] =	wrdreg s18  }
0xb1: {  	[dreg:$0x4] =	wrdreg s24  }
0xb2: {  	[dreg:$0x5] =	wrdreg $0x9  }
0xb3: {  	_ =	task.clear_ibuf [dreg:s8], $0x6FFFF;
	_ =	strace $0x90000046  }
0xb4: {  	s29 =	simm.s32 $0x9;
	_ =	strace $0x80000048  }
0xb5: {  	_ =	swait.ge [sflag:s29], $0x1  }
0xb6: {  	[sflag:s29] =	ssyncadd.s32 $0xFFFFFFFF  }
0xb7: {  	_ =	strace $0x90000048  }
0xb8: {  	_ =	sfence  }
0xb9: {  	s30 =	sld [smem:$0x0];
	_ =	sdelay $0x2  }
0xba: {  	s31 =	sshll.u32 s1, $0xD;
	s1 =	sshrl.u32 s1, $0x2  }
0xbb: {  	s3 =	sand.u32 $0x4000, s31;
	s1 =	sadd.s32 s1, s30  }
0xbc: {  	s0 =	sor.u32 s3, s0;
	s1 =	sshll.u32 s1, $0x11  }
0xbd: {  	s0 =	sor.u32 s1, s0  }
0xbe: {  	s0 =	sadd.s32 $0x8F2B, s0  }
0xbf: {  	[sflag:s0] =	ssyncadd.remote.s32 $0x1  }
0xc0: {  	_ =	sfence.sel $0xFFFF  }
0xc1: {  	[dreg:$0x0] =	wrdreg $0xFFFFFFFF;
	(pc) =	sbr.abs _section_cstart, $3  }
0xc2: {  	[dreg:$0x1] =	wrdreg $0xFFFFFFFF  }
0xc3: {  	_ =	task.clear_ibuf [dreg:s8], $0x2FFFF;
	_ =	strace $0x9FFFFFFF  }
0xc4: {  	(tm) =	ssettm $0x7FFFFFFF  }
0xc5: {  	_ =	shalt  }
tec
execute0_lowered:
.L_overlay_start_1:
0x0: {  	(tag) =	ssettag $0x1  }
0x1: {  	s5 =	rddreg [dreg:$0x0]  }
0x2: {  	s1 =	srdreg.scid;
	s4 =	rddreg [dreg:$0x1]  }
0x3: {  	s0 =	stileid.u32;
	s6 =	rddreg [dreg:$0x2]  }
0x4: {  	s11 =	simm.s32 $0x6000;
	s12 =	simm.s32 $0xC000;
	s3 =	sand.u32 $0x1, s1  }
0x5: {  	s13 =	simm.s32 $0x12000;
	s29 =	sshll.u32 s0, $0x4;
	s2 =	sshll.u32 s3, $0x3  }
0x6: {  	s14 =	simm.s32 $0x1;
	s15 =	simm.s32 $0x2;
	s7 =	sor.u32 s2, s29  }
0x7: {  	s16 =	simm.s32 $0x0;
	s1 =	rddreg [dreg:$0x3];
	s7 =	smul.u32 $0x1800, s7  }
0x8: {  	s9 =	sadd.s32 $0x600, s6;
	s3 =	ssub.s32 $0x2, s3;
	s2 =	simm.s32 $0x0  }
0x9: {  	s8 =	sshrl.u32 s3, $0x1;
	[smem:$0x7FF] =	sst s2;
	s7 =	sshrl.u32 s7, $0x3  }
0xa: {  	s10 =	ssub.s32 s3, s8;
	_ =	strace $0x80000047;
	s30 =	sadd.s32 $0xC00, s7  }
0xb: {  	s3 =	sadd.s32 s4, s7;
	s31 =	sadd.s32 s5, s7;
	s7 =	sadd.s32 s9, s7  }
0xc: {  	s4 =	sadd.s32 s4, s30;
	s5 =	sadd.s32 $0x90000, s31;
	s6 =	sadd.s32 $0x90C00, s31  }
0xd: {  	s8 =	sadd.s32 s9, s30;
	s9 =	smax.u32 s10, $0x1;
	s10 =	simm.s32 $0x3  }
.LBB2_1:
0xe: {  	[tilespmem:s2], [sflag:$0x3] =	stream.linear.gather [hbm4b:s3+s2], $0x6000, $0x38;
	[tilespmem:$0x18000] =	vst v63  }
0xf: {  	_ =	swait.ge [sflag:s10], $0x6000  }
0x10: {  	[sflag:s10] =	ssyncset.done $0x0  }
0x11: {  	[sflag:s10] =	ssyncadd.s32 $0xFFFFA000  }
0x12: {  	[tilespmem:s11], [sflag:$0x3] =	stream.linear.gather [hbm4b:s4+s2], $0x6000, $0x38;
	[tilespmem:$0x18000] =	vst v63  }
0x13: {  	_ =	swait.ge [sflag:s10], $0x6000  }
0x14: {  	[sflag:s10] =	ssyncset.done $0x0  }
0x15: {  	[sflag:s10] =	ssyncadd.s32 $0xFFFFA000  }
0x16: {  	[tilespmem:s12], [sflag:$0x1] =	stream.linear.gather [hbm4b:s5+s2], $0x6000, $0x38;
	[tilespmem:$0x18000] =	vst v63  }
0x17: {  	s17 =	simm.s32 $0x0  }
0x18: {  	[tilespmem:s13], [sflag:$0x2] =	stream.linear.gather [hbm4b:s6+s2], $0x6000, $0x38;
	[tilespmem:$0x18000] =	vst v63  }
0x19: {  	s17 =	smul.u32 $0x1800, s17;
	_ =	swait.ge [sflag:s14], $0x6000  }
0x1a: {  	s18 =	sand.u32 $0x380, s2;
	[sflag:s14] =	ssyncset.done $0x0  }
0x1b: {  	s17 =	sor.u32 s18, s17;
	[sflag:s14] =	ssyncadd.s32 $0xFFFFA000  }
0x1c: {  	v9 =	vld [tilespmem:s17+$0x0]  }
0x1d: {  	v10 =	vld [tilespmem:s17+$0x10]  }
0x1e: {  	v11 =	vld [tilespmem:s17+$0x20]  }
0x1f: {  	v12 =	vld [tilespmem:s17+$0x30]  }
0x20: {  	v13 =	vld [tilespmem:s17+$0x40]  }
0x21: {  	v14 =	vld [tilespmem:s17+$0x50]  }
0x22: {  	v15 =	vld [tilespmem:s17+$0x60]  }
0x23: {  	v16 =	vld [tilespmem:s17+$0x70]  }
0x24: {  	v17 =	vld [tilespmem:s17+$0x400]  }
0x25: {  	v18 =	vld [tilespmem:s17+$0x410]  }
0x26: {  	v19 =	vld [tilespmem:s17+$0x420]  }
0x27: {  	v20 =	vld [tilespmem:s17+$0x430]  }
0x28: {  	v21 =	vld [tilespmem:s17+$0x440]  }
0x29: {  	v22 =	vld [tilespmem:s17+$0x450]  }
0x2a: {  	v23 =	vld [tilespmem:s17+$0x460]  }
0x2b: {  	v24 =	vld [tilespmem:s17+$0x470]  }
0x2c: {  	v25 =	vld [tilespmem:s17+$0x800]  }
0x2d: {  	v26 =	vld [tilespmem:s17+$0x810]  }
0x2e: {  	v27 =	vld [tilespmem:s17+$0x820]  }
0x2f: {  	v28 =	vld [tilespmem:s17+$0x830]  }
0x30: {  	v29 =	vld [tilespmem:s17+$0x840]  }
0x31: {  	v30 =	vld [tilespmem:s17+$0x850]  }
0x32: {  	v31 =	vld [tilespmem:s17+$0x860]  }
0x33: {  	v32 =	vld [tilespmem:s17+$0x870]  }
0x34: {  	v33 =	vld [tilespmem:s17+$0xC00]  }
0x35: {  	v34 =	vld [tilespmem:s17+$0xC10]  }
0x36: {  	v35 =	vld [tilespmem:s17+$0xC20]  }
0x37: {  	v36 =	vld [tilespmem:s17+$0xC30]  }
0x38: {  	v37 =	vld [tilespmem:s17+$0xC40]  }
0x39: {  	v38 =	vld [tilespmem:s17+$0xC50]  }
0x3a: {  	v39 =	vld [tilespmem:s17+$0xC60]  }
0x3b: {  	v40 =	vld [tilespmem:s17+$0xC70]  }
0x3c: {  	v41 =	vld [tilespmem:s17+$0x1000]  }
0x3d: {  	v42 =	vld [tilespmem:s17+$0x1010]  }
0x3e: {  	v43 =	vld [tilespmem:s17+$0x1020]  }
0x3f: {  	v44 =	vld [tilespmem:s17+$0x1030]  }
0x40: {  	v45 =	vld [tilespmem:s17+$0x1040]  }
0x41: {  	v46 =	vld [tilespmem:s17+$0x1050]  }
0x42: {  	v47 =	vld [tilespmem:s17+$0x1060]  }
0x43: {  	v8 =	vld [tilespmem:s17+$0x1070]  }
0x44: {  	v7 =	vld [tilespmem:s17+$0x1400]  }
0x45: {  	v6 =	vld [tilespmem:s17+$0x1410]  }
0x46: {  	v5 =	vld [tilespmem:s17+$0x1420]  }
0x47: {  	v4 =	vld [tilespmem:s17+$0x1430]  }
0x48: {  	v3 =	vld [tilespmem:s17+$0x1440]  }
0x49: {  	v48 =	vld [tilespmem:s17+$0xC000]  }
0x4a: {  	v49 =	vld [tilespmem:s17+$0xC010]  }
0x4b: {  	v50 =	vld [tilespmem:s17+$0xC020]  }
0x4c: {  	v51 =	vld [tilespmem:s17+$0xC030]  }
0x4d: {  	v52 =	vld [tilespmem:s17+$0xC040]  }
0x4e: {  	v62 =	vld [tilespmem:s17+$0xC050];
	v9 =	vadd.f32 v9, v48  }
0x4f: {  	v63 =	vld [tilespmem:s17+$0xC060];
	v10 =	vadd.f32 v10, v49  }
0x50: {  	[tilespmem:s17+$0xC000] =	vst v9;
	v9 =	vadd.f32 v11, v50;
	v11 =	vld [tilespmem:s17+$0xC070]  }
0x51: {  	[tilespmem:s17+$0xC010] =	vst v10;
	v10 =	vadd.f32 v12, v51;
	v12 =	vld [tilespmem:s17+$0xC400]  }
0x52: {  	[tilespmem:s17+$0xC020] =	vst v9;
	v9 =	vadd.f32 v13, v52;
	v13 =	vld [tilespmem:s17+$0xC410]  }
0x53: {  	[tilespmem:s17+$0xC030] =	vst v10;
	v10 =	vadd.f32 v14, v62;
	v14 =	vld [tilespmem:s17+$0xC420]  }
0x54: {  	v2 =	vld [tilespmem:s17+$0x1450]  }
0x55: {  	[tilespmem:s17+$0xC040] =	vst v9;
	v9 =	vadd.f32 v15, v63;
	v15 =	vld [tilespmem:s17+$0xC470]  }
0x56: {  	[tilespmem:s17+$0xC050] =	vst v10;
	v10 =	vadd.f32 v16, v11;
	v11 =	vld [tilespmem:s17+$0xC430]  }
0x57: {  	[tilespmem:s17+$0xC060] =	vst v9;
	v9 =	vadd.f32 v17, v12;
	v12 =	vld [tilespmem:s17+$0xC440]  }
0x58: {  	[tilespmem:s17+$0xC070] =	vst v10;
	v10 =	vadd.f32 v18, v13;
	v13 =	vadd.f32 v19, v14;
	v14 =	vld [tilespmem:s17+$0xC460]  }
0x59: {  	[tilespmem:s17+$0xC400] =	vst v9;
	v9 =	vld [tilespmem:s17+$0xC450]  }
0x5a: {  	[tilespmem:s17+$0xC410] =	vst v10;
	v10 =	vld [tilespmem:s17+$0xC800];
	v15 =	vadd.f32 v24, v15  }
0x5b: {  	[tilespmem:s17+$0xC420] =	vst v13;
	v13 =	vld [tilespmem:s17+$0xC810];
	v11 =	vadd.f32 v20, v11  }
0x5c: {  	v1 =	vld [tilespmem:s17+$0x1460];
	v12 =	vadd.f32 v21, v12;
	[tilespmem:s17+$0xC470] =	vst v15  }
0x5d: {  	[tilespmem:s17+$0xC430] =	vst v11;
	v11 =	vld [tilespmem:s17+$0xC820];
	v14 =	vadd.f32 v23, v14  }
0x5e: {  	v9 =	vadd.f32 v22, v9;
	[tilespmem:s17+$0xC440] =	vst v12;
	v12 =	vld [tilespmem:s17+$0xC830]  }
0x5f: {  	v15 =	vld [tilespmem:s17+$0xC870];
	[tilespmem:s17+$0xC460] =	vst v14;
	v10 =	vadd.f32 v25, v10  }
0x60: {  	v13 =	vadd.f32 v26, v13;
	[tilespmem:s17+$0xC450] =	vst v9;
	v9 =	vld [tilespmem:s17+$0xC840]  }
0x61: {  	v14 =	vld [tilespmem:s17+$0xC850];
	[tilespmem:s17+$0xC800] =	vst v10  }
0x62: {  	[tilespmem:s17+$0xC810] =	vst v13;
	v13 =	vld [tilespmem:s17+$0xC860];
	v10 =	vadd.f32 v27, v11  }
0x63: {  	v11 =	vld [tilespmem:s17+$0xCC00];
	v12 =	vadd.f32 v28, v12  }
0x64: {  	[tilespmem:s17+$0xC820] =	vst v10;
	v10 =	vld [tilespmem:s17+$0xCC10]  }
0x65: {  	v9 =	vadd.f32 v29, v9;
	[tilespmem:s17+$0xC830] =	vst v12;
	v12 =	vld [tilespmem:s17+$0xCC20]  }
0x66: {  	v0 =	vld [tilespmem:s17+$0x1470];
	v14 =	vadd.f32 v30, v14  }
0x67: {  	v13 =	vadd.f32 v31, v13;
	[tilespmem:s17+$0xC840] =	vst v9;
	v9 =	vld [tilespmem:s17+$0xCC30]  }
0x68: {  	[tilespmem:s17+$0xC850] =	vst v14;
	v14 =	vld [tilespmem:s17+$0xCC40];
	v11 =	vadd.f32 v33, v11  }
0x69: {  	v15 =	vadd.f32 v32, v15;
	[tilespmem:s17+$0xC860] =	vst v13;
	v13 =	vld [tilespmem:s17+$0xCC50]  }
0x6a: {  	v10 =	vadd.f32 v34, v10;
	[tilespmem:s17+$0xCC00] =	vst v11;
	v11 =	vadd.f32 v35, v12;
	v12 =	vld [tilespmem:s17+$0xCC60]  }
0x6b: {  	[tilespmem:s17+$0xC870] =	vst v15;
	v15 =	vld [tilespmem:s17+$0xCC70]  }
0x6c: {  	[tilespmem:s17+$0xCC10] =	vst v10;
	v10 =	vld [tilespmem:s17+$0xD000];
	v9 =	vadd.f32 v36, v9  }
0x6d: {  	v14 =	vadd.f32 v37, v14;
	[tilespmem:s17+$0xCC20] =	vst v11;
	v11 =	vld [tilespmem:s17+$0xD010]  }
0x6e: {  	v13 =	vadd.f32 v38, v13;
	[tilespmem:s17+$0xCC30] =	vst v9;
	v9 =	vld [tilespmem:s17+$0xD020]  }
0x6f: {  	[tilespmem:s17+$0xCC40] =	vst v14;
	v14 =	vld [tilespmem:s17+$0xD030];
	v12 =	vadd.f32 v39, v12  }
0x70: {  	v16 =	vld [tilespmem:s17+$0xD040];
	[tilespmem:s17+$0xCC50] =	vst v13;
	v13 =	vadd.f32 v40, v15  }
0x71: {  	v15 =	vld [tilespmem:s17+$0xD050];
	v10 =	vadd.f32 v41, v10;
	[tilespmem:s17+$0xCC60] =	vst v12  }
0x72: {  	v17 =	vld [tilespmem:s17+$0xD060];
	[tilespmem:s17+$0xCC70] =	vst v13;
	v11 =	vadd.f32 v42, v11  }
0x73: {  	v13 =	vld [tilespmem:s17+$0xD070];
	[tilespmem:s17+$0xD000] =	vst v10;
	v9 =	vadd.f32 v43, v9  }
0x74: {  	v12 =	vld [tilespmem:s17+$0xD400];
	v10 =	vadd.f32 v44, v14;
	[tilespmem:s17+$0xD010] =	vst v11  }
0x75: {  	v11 =	vld [tilespmem:s17+$0xD410];
	[tilespmem:s17+$0xD020] =	vst v9;
	v9 =	vadd.f32 v45, v16  }
0x76: {  	[tilespmem:s17+$0xD030] =	vst v10;
	v10 =	vld [tilespmem:s17+$0xD420];
	v15 =	vadd.f32 v46, v15  }
0x77: {  	s19 =	simm.s32 $0x0;
	s18 =	simm.s32 $0x1;
	v14 =	vadd.f32 v47, v17;
	[tilespmem:s17+$0xD040] =	vst v9;
	v9 =	vld [tilespmem:s17+$0xD430]  }
.LBB2_2:
0x78: {  	s20 =	sshrl.u32 s18, $0x3;
	p0 =	sne.s32 s18, $0x1F;
	[tilespmem:s17+$0xD050] =	vst v15;
	v8 =	vadd.f32 v8, v13;
	v13 =	vld [tilespmem:s17+$0xD440]  }
0x79: {  	s19 =	sadd.s32 $0x80, s19;
	s20 =	smul.u32 $0x1800, s20;
	[tilespmem:s17+$0xD060] =	vst v14;
	v7 =	vadd.f32 v7, v12;
	v12 =	vld [tilespmem:s17+$0xD450]  }
0x7a: {  	s21 =	sand.u32 $0x380, s19;
	[tilespmem:s17+$0xD070] =	vst v8;
	v6 =	vadd.f32 v6, v11;
	v8 =	vld [tilespmem:s17+$0xD460]  }
0x7b: {  	s20 =	sor.u32 s21, s20;
	[tilespmem:s17+$0xD400] =	vst v7;
	v5 =	vadd.f32 v5, v10;
	v7 =	vld [tilespmem:s17+$0xD470]  }
0x7c: {  	v36 =	vld [tilespmem:s20+$0x0];
	[tilespmem:s17+$0xD410] =	vst v6;
	v4 =	vadd.f32 v4, v9  }
0x7d: {  	v37 =	vld [tilespmem:s20+$0x10];
	[tilespmem:s17+$0xD420] =	vst v5;
	v3 =	vadd.f32 v3, v13  }
0x7e: {  	v38 =	vld [tilespmem:s20+$0x20];
	[tilespmem:s17+$0xD430] =	vst v4;
	v2 =	vadd.f32 v2, v12  }
0x7f: {  	v39 =	vld [tilespmem:s20+$0x30];
	[tilespmem:s17+$0xD440] =	vst v3;
	v1 =	vadd.f32 v1, v8  }
0x80: {  	v40 =	vld [tilespmem:s20+$0x40];
	[tilespmem:s17+$0xD450] =	vst v2;
	v0 =	vadd.f32 v0, v7  }
0x81: {  	v41 =	vld [tilespmem:s20+$0x50];
	[tilespmem:s17+$0xD460] =	vst v1  }
0x82: {  	v42 =	vld [tilespmem:s20+$0x60];
	[tilespmem:s17+$0xD470] =	vst v0;
	s17 =	smov.u32 s20  }
0x83: {  	v43 =	vld [tilespmem:s17+$0x70]  }
0x84: {  	v44 =	vld [tilespmem:s17+$0x400]  }
0x85: {  	v45 =	vld [tilespmem:s17+$0x410]  }
0x86: {  	v46 =	vld [tilespmem:s17+$0x420]  }
0x87: {  	v47 =	vld [tilespmem:s17+$0x430]  }
0x88: {  	v35 =	vld [tilespmem:s17+$0x440]  }
0x89: {  	v34 =	vld [tilespmem:s17+$0x450]  }
0x8a: {  	v33 =	vld [tilespmem:s17+$0x460]  }
0x8b: {  	v32 =	vld [tilespmem:s17+$0x470]  }
0x8c: {  	v31 =	vld [tilespmem:s17+$0x800]  }
0x8d: {  	v30 =	vld [tilespmem:s17+$0x810]  }
0x8e: {  	v29 =	vld [tilespmem:s17+$0x820]  }
0x8f: {  	v28 =	vld [tilespmem:s17+$0x830]  }
0x90: {  	v27 =	vld [tilespmem:s17+$0x840]  }
0x91: {  	v26 =	vld [tilespmem:s17+$0x850]  }
0x92: {  	v25 =	vld [tilespmem:s17+$0x860]  }
0x93: {  	v24 =	vld [tilespmem:s17+$0x870]  }
0x94: {  	v23 =	vld [tilespmem:s17+$0xC00]  }
0x95: {  	v22 =	vld [tilespmem:s17+$0xC10]  }
0x96: {  	v21 =	vld [tilespmem:s17+$0xC20]  }
0x97: {  	v20 =	vld [tilespmem:s17+$0xC30]  }
0x98: {  	v19 =	vld [tilespmem:s17+$0xC40]  }
0x99: {  	v18 =	vld [tilespmem:s17+$0xC50]  }
0x9a: {  	v17 =	vld [tilespmem:s17+$0xC60]  }
0x9b: {  	v16 =	vld [tilespmem:s17+$0xC70]  }
0x9c: {  	v15 =	vld [tilespmem:s17+$0x1000]  }
0x9d: {  	v14 =	vld [tilespmem:s17+$0x1010]  }
0x9e: {  	v13 =	vld [tilespmem:s17+$0x1020]  }
0x9f: {  	v12 =	vld [tilespmem:s17+$0x1030]  }
0xa0: {  	v11 =	vld [tilespmem:s17+$0x1040]  }
0xa1: {  	v10 =	vld [tilespmem:s17+$0x1050]  }
0xa2: {  	v9 =	vld [tilespmem:s17+$0x1060]  }
0xa3: {  	v8 =	vld [tilespmem:s17+$0x1070]  }
0xa4: {  	v7 =	vld [tilespmem:s17+$0x1400]  }
0xa5: {  	v6 =	vld [tilespmem:s17+$0x1410]  }
0xa6: {  	v5 =	vld [tilespmem:s17+$0x1420]  }
0xa7: {  	v4 =	vld [tilespmem:s17+$0x1430]  }
0xa8: {  	v3 =	vld [tilespmem:s17+$0x1440]  }
0xa9: {  	v2 =	vld [tilespmem:s17+$0x1450]  }
0xaa: {  	v1 =	vld [tilespmem:s17+$0x1460]  }
0xab: {  	v0 =	vld [tilespmem:s17+$0x1470]  }
0xac: {  	v48 =	vld [tilespmem:s17+$0xC000]  }
0xad: {  	v49 =	vld [tilespmem:s17+$0xC010]  }
0xae: {  	v50 =	vld [tilespmem:s17+$0xC020]  }
0xaf: {  	v51 =	vld [tilespmem:s17+$0xC030]  }
0xb0: {  	v52 =	vld [tilespmem:s17+$0xC040]  }
0xb1: {  	v36 =	vadd.f32 v36, v48;
	v48 =	vld [tilespmem:s17+$0xC050]  }
0xb2: {  	v37 =	vadd.f32 v37, v49;
	v49 =	vld [tilespmem:s17+$0xC060]  }
0xb3: {  	[tilespmem:s17+$0xC000] =	vst v36;
	v36 =	vadd.f32 v38, v50;
	v38 =	vld [tilespmem:s17+$0xC070]  }
0xb4: {  	[tilespmem:s17+$0xC010] =	vst v37;
	v37 =	vadd.f32 v39, v51;
	v39 =	vld [tilespmem:s17+$0xC400]  }
0xb5: {  	[tilespmem:s17+$0xC020] =	vst v36;
	v36 =	vadd.f32 v40, v52;
	v40 =	vld [tilespmem:s17+$0xC410]  }
0xb6: {  	[tilespmem:s17+$0xC030] =	vst v37;
	v37 =	vadd.f32 v41, v48;
	v41 =	vld [tilespmem:s17+$0xC420]  }
0xb7: {  	[tilespmem:s17+$0xC040] =	vst v36;
	v36 =	vadd.f32 v42, v49;
	v42 =	vld [tilespmem:s17+$0xC430]  }
0xb8: {  	[tilespmem:s17+$0xC050] =	vst v37;
	v37 =	vadd.f32 v43, v38;
	v38 =	vld [tilespmem:s17+$0xC440]  }
0xb9: {  	[tilespmem:s17+$0xC060] =	vst v36;
	v36 =	vadd.f32 v44, v39;
	v39 =	vld [tilespmem:s17+$0xC450]  }
0xba: {  	[tilespmem:s17+$0xC070] =	vst v37;
	v37 =	vadd.f32 v45, v40;
	v40 =	vld [tilespmem:s17+$0xC460]  }
0xbb: {  	[tilespmem:s17+$0xC400] =	vst v36;
	v36 =	vadd.f32 v46, v41;
	v41 =	vld [tilespmem:s17+$0xC470]  }
0xbc: {  	[tilespmem:s17+$0xC410] =	vst v37;
	v37 =	vadd.f32 v47, v42;
	v42 =	vld [tilespmem:s17+$0xC800]  }
0xbd: {  	[tilespmem:s17+$0xC420] =	vst v36;
	v35 =	vadd.f32 v35, v38;
	v36 =	vld [tilespmem:s17+$0xC810]  }
0xbe: {  	[tilespmem:s17+$0xC430] =	vst v37;
	v34 =	vadd.f32 v34, v39;
	v37 =	vld [tilespmem:s17+$0xC820]  }
0xbf: {  	[tilespmem:s17+$0xC440] =	vst v35;
	v33 =	vadd.f32 v33, v40;
	v35 =	vld [tilespmem:s17+$0xC830]  }
0xc0: {  	[tilespmem:s17+$0xC450] =	vst v34;
	v32 =	vadd.f32 v32, v41;
	v34 =	vld [tilespmem:s17+$0xC840]  }
0xc1: {  	[tilespmem:s17+$0xC460] =	vst v33;
	v31 =	vadd.f32 v31, v42;
	v33 =	vld [tilespmem:s17+$0xC850]  }
0xc2: {  	[tilespmem:s17+$0xC470] =	vst v32;
	v30 =	vadd.f32 v30, v36;
	v32 =	vld [tilespmem:s17+$0xC860]  }
0xc3: {  	[tilespmem:s17+$0xC800] =	vst v31;
	v29 =	vadd.f32 v29, v37;
	v31 =	vld [tilespmem:s17+$0xC870]  }
0xc4: {  	[tilespmem:s17+$0xC810] =	vst v30;
	v28 =	vadd.f32 v28, v35;
	v30 =	vld [tilespmem:s17+$0xCC00]  }
0xc5: {  	[tilespmem:s17+$0xC820] =	vst v29;
	v27 =	vadd.f32 v27, v34;
	v29 =	vld [tilespmem:s17+$0xCC10]  }
0xc6: {  	[tilespmem:s17+$0xC830] =	vst v28;
	v26 =	vadd.f32 v26, v33;
	v28 =	vld [tilespmem:s17+$0xCC20]  }
0xc7: {  	[tilespmem:s17+$0xC840] =	vst v27;
	v25 =	vadd.f32 v25, v32;
	v27 =	vld [tilespmem:s17+$0xCC30]  }
0xc8: {  	[tilespmem:s17+$0xC850] =	vst v26;
	v24 =	vadd.f32 v24, v31;
	v26 =	vld [tilespmem:s17+$0xCC40]  }
0xc9: {  	[tilespmem:s17+$0xC860] =	vst v25;
	v23 =	vadd.f32 v23, v30;
	v25 =	vld [tilespmem:s17+$0xCC50]  }
0xca: {  	[tilespmem:s17+$0xC870] =	vst v24;
	v22 =	vadd.f32 v22, v29;
	v24 =	vld [tilespmem:s17+$0xCC60]  }
0xcb: {  	[tilespmem:s17+$0xCC00] =	vst v23;
	v21 =	vadd.f32 v21, v28;
	v23 =	vld [tilespmem:s17+$0xCC70]  }
0xcc: {  	[tilespmem:s17+$0xCC10] =	vst v22;
	v20 =	vadd.f32 v20, v27;
	v22 =	vld [tilespmem:s17+$0xD000]  }
0xcd: {  	[tilespmem:s17+$0xCC20] =	vst v21;
	v19 =	vadd.f32 v19, v26;
	v21 =	vld [tilespmem:s17+$0xD010]  }
0xce: {  	[tilespmem:s17+$0xCC30] =	vst v20;
	v18 =	vadd.f32 v18, v25;
	v20 =	vld [tilespmem:s17+$0xD020]  }
0xcf: {  	[tilespmem:s17+$0xCC40] =	vst v19;
	v17 =	vadd.f32 v17, v24;
	v19 =	vld [tilespmem:s17+$0xD030]  }
0xd0: {  	[tilespmem:s17+$0xCC50] =	vst v18;
	v16 =	vadd.f32 v16, v23;
	v18 =	vld [tilespmem:s17+$0xD040]  }
0xd1: {  	[tilespmem:s17+$0xCC60] =	vst v17;
	v15 =	vadd.f32 v15, v22;
	v17 =	vld [tilespmem:s17+$0xD050]  }
0xd2: {  	[tilespmem:s17+$0xCC70] =	vst v16;
	v14 =	vadd.f32 v14, v21;
	v16 =	vld [tilespmem:s17+$0xD060]  }
.Ltmp0:
0xd3: {  	[tilespmem:s17+$0xD000] =	vst v15;
	v15 =	vadd.f32 v13, v20;
	v13 =	vld [tilespmem:s17+$0xD070];
	(pc) =	sbr.rel @p0 .LBB2_2-.Ltmp0, $4  }
0xd4: {  	[tilespmem:s17+$0xD010] =	vst v14;
	v14 =	vadd.f32 v12, v19;
	v12 =	vld [tilespmem:s17+$0xD400]  }
0xd5: {  	[tilespmem:s17+$0xD020] =	vst v15;
	v18 =	vadd.f32 v11, v18;
	v11 =	vld [tilespmem:s17+$0xD410]  }
0xd6: {  	[tilespmem:s17+$0xD030] =	vst v14;
	v15 =	vadd.f32 v10, v17;
	v10 =	vld [tilespmem:s17+$0xD420]  }
0xd7: {  	s18 =	sadd.s32 $0x1, s18;
	[tilespmem:s17+$0xD040] =	vst v18;
	v14 =	vadd.f32 v9, v16;
	v9 =	vld [tilespmem:s17+$0xD430]  }
0xd8: {  	[tilespmem:s17+$0xD050] =	vst v15;
	v15 =	vld [tilespmem:s17+$0xD440];
	v8 =	vadd.f32 v8, v13  }
0xd9: {  	v13 =	vld [tilespmem:s17+$0xD450];
	[tilespmem:s17+$0xD060] =	vst v14;
	v7 =	vadd.f32 v7, v12  }
0xda: {  	[tilespmem:s17+$0xD070] =	vst v8;
	v6 =	vadd.f32 v6, v11;
	v8 =	vld [tilespmem:s17+$0xD460]  }
0xdb: {  	[tilespmem:s17+$0xD400] =	vst v7;
	v5 =	vadd.f32 v5, v10;
	v7 =	vld [tilespmem:s17+$0xD470]  }
0xdc: {  	[tilespmem:s17+$0xD410] =	vst v6;
	v4 =	vadd.f32 v4, v9  }
0xdd: {  	[tilespmem:s17+$0xD420] =	vst v5;
	v3 =	vadd.f32 v3, v15  }
0xde: {  	v2 =	vadd.f32 v2, v13;
	[tilespmem:s17+$0xD430] =	vst v4  }
0xdf: {  	[tilespmem:s17+$0xD440] =	vst v3;
	v1 =	vadd.f32 v1, v8  }
0xe0: {  	[tilespmem:s17+$0xD450] =	vst v2;
	v0 =	vadd.f32 v0, v7  }
0xe1: {  	[tilespmem:s17+$0xD460] =	vst v1  }
0xe2: {  	s18 =	simm.s32 $0x0;
	[tilespmem:s17+$0xD470] =	vst v0  }
0xe3: {  	[hbm4b:s7+s18] =	stream.linear.scatter [tilespmem:s12], [sflag:$0x3], $0x6000, $0x38;
	[tilespmem:$0x18000] =	vst v63  }
0xe4: {  	_ =	swait.ge [sflag:s10], $0x6000  }
0xe5: {  	[sflag:s10] =	ssyncset.done $0x0  }
0xe6: {  	s31 =	simm.s32 $0x0;
	[sflag:s10] =	ssyncadd.s32 $0xFFFFA000  }
0xe7: {  	s17 =	smul.u32 $0x1800, s31;
	_ =	swait.ge [sflag:s15], $0x6000  }
0xe8: {  	s19 =	sand.u32 $0x380, s18;
	[sflag:s15] =	ssyncset.done $0x0  }
0xe9: {  	s17 =	sor.u32 s19, s17;
	[sflag:s15] =	ssyncadd.s32 $0xFFFFA000  }
0xea: {  	v9 =	vld [tilespmem:s17+$0x6000]  }
0xeb: {  	v10 =	vld [tilespmem:s17+$0x6010]  }
0xec: {  	v11 =	vld [tilespmem:s17+$0x6020]  }
0xed: {  	v12 =	vld [tilespmem:s17+$0x6030]  }
0xee: {  	v13 =	vld [tilespmem:s17+$0x6040]  }
0xef: {  	v14 =	vld [tilespmem:s17+$0x6050]  }
0xf0: {  	v15 =	vld [tilespmem:s17+$0x6060]  }
0xf1: {  	v16 =	vld [tilespmem:s17+$0x6070]  }
0xf2: {  	v17 =	vld [tilespmem:s17+$0x6400]  }
0xf3: {  	v18 =	vld [tilespmem:s17+$0x6410]  }
0xf4: {  	v19 =	vld [tilespmem:s17+$0x6420]  }
0xf5: {  	v20 =	vld [tilespmem:s17+$0x6430]  }
0xf6: {  	v21 =	vld [tilespmem:s17+$0x6440]  }
0xf7: {  	v22 =	vld [tilespmem:s17+$0x6450]  }
0xf8: {  	v23 =	vld [tilespmem:s17+$0x6460]  }
0xf9: {  	v24 =	vld [tilespmem:s17+$0x6470]  }
0xfa: {  	v25 =	vld [tilespmem:s17+$0x6800]  }
0xfb: {  	v26 =	vld [tilespmem:s17+$0x6810]  }
0xfc: {  	v27 =	vld [tilespmem:s17+$0x6820]  }
0xfd: {  	v28 =	vld [tilespmem:s17+$0x6830]  }
0xfe: {  	v29 =	vld [tilespmem:s17+$0x6840]  }
0xff: {  	v30 =	vld [tilespmem:s17+$0x6850]  }
0x100: {  	v31 =	vld [tilespmem:s17+$0x6860]  }
0x101: {  	v32 =	vld [tilespmem:s17+$0x6870]  }
0x102: {  	v33 =	vld [tilespmem:s17+$0x6C00]  }
0x103: {  	v34 =	vld [tilespmem:s17+$0x6C10]  }
0x104: {  	v35 =	vld [tilespmem:s17+$0x6C20]  }
0x105: {  	v36 =	vld [tilespmem:s17+$0x6C30]  }
0x106: {  	v37 =	vld [tilespmem:s17+$0x6C40]  }
0x107: {  	v38 =	vld [tilespmem:s17+$0x6C50]  }
0x108: {  	v39 =	vld [tilespmem:s17+$0x6C60]  }
0x109: {  	v40 =	vld [tilespmem:s17+$0x6C70]  }
0x10a: {  	v41 =	vld [tilespmem:s17+$0x7000]  }
0x10b: {  	v42 =	vld [tilespmem:s17+$0x7010]  }
0x10c: {  	v43 =	vld [tilespmem:s17+$0x7020]  }
0x10d: {  	v44 =	vld [tilespmem:s17+$0x7030]  }
0x10e: {  	v45 =	vld [tilespmem:s17+$0x7040]  }
0x10f: {  	v46 =	vld [tilespmem:s17+$0x7050]  }
0x110: {  	v47 =	vld [tilespmem:s17+$0x7060]  }
0x111: {  	v8 =	vld [tilespmem:s17+$0x7070]  }
0x112: {  	v7 =	vld [tilespmem:s17+$0x7400]  }
0x113: {  	v6 =	vld [tilespmem:s17+$0x7410]  }
0x114: {  	v5 =	vld [tilespmem:s17+$0x7420]  }
0x115: {  	v4 =	vld [tilespmem:s17+$0x7430]  }
0x116: {  	v3 =	vld [tilespmem:s17+$0x7440]  }
0x117: {  	v48 =	vld [tilespmem:s17+$0x12000]  }
0x118: {  	v49 =	vld [tilespmem:s17+$0x12010]  }
0x119: {  	v50 =	vld [tilespmem:s17+$0x12020]  }
0x11a: {  	v51 =	vld [tilespmem:s17+$0x12030]  }
0x11b: {  	v52 =	vld [tilespmem:s17+$0x12040]  }
0x11c: {  	v62 =	vld [tilespmem:s17+$0x12050];
	v9 =	vadd.f32 v9, v48  }
0x11d: {  	v63 =	vld [tilespmem:s17+$0x12060];
	v10 =	vadd.f32 v10, v49  }
0x11e: {  	[tilespmem:s17+$0x12000] =	vst v9;
	v9 =	vadd.f32 v11, v50;
	v11 =	vld [tilespmem:s17+$0x12070]  }
0x11f: {  	[tilespmem:s17+$0x12010] =	vst v10;
	v10 =	vadd.f32 v12, v51;
	v12 =	vld [tilespmem:s17+$0x12400]  }
0x120: {  	[tilespmem:s17+$0x12020] =	vst v9;
	v9 =	vadd.f32 v13, v52;
	v13 =	vld [tilespmem:s17+$0x12410]  }
0x121: {  	[tilespmem:s17+$0x12030] =	vst v10;
	v10 =	vadd.f32 v14, v62;
	v14 =	vld [tilespmem:s17+$0x12420]  }
0x122: {  	v2 =	vld [tilespmem:s17+$0x7450]  }
0x123: {  	[tilespmem:s17+$0x12040] =	vst v9;
	v9 =	vadd.f32 v15, v63;
	v15 =	vld [tilespmem:s17+$0x12470]  }
0x124: {  	[tilespmem:s17+$0x12050] =	vst v10;
	v10 =	vadd.f32 v16, v11;
	v11 =	vld [tilespmem:s17+$0x12430]  }
0x125: {  	[tilespmem:s17+$0x12060] =	vst v9;
	v9 =	vadd.f32 v17, v12;
	v12 =	vld [tilespmem:s17+$0x12440]  }
0x126: {  	[tilespmem:s17+$0x12070] =	vst v10;
	v10 =	vadd.f32 v18, v13;
	v13 =	vadd.f32 v19, v14;
	v14 =	vld [tilespmem:s17+$0x12460]  }
0x127: {  	[tilespmem:s17+$0x12400] =	vst v9;
	v9 =	vld [tilespmem:s17+$0x12450]  }
0x128: {  	[tilespmem:s17+$0x12410] =	vst v10;
	v10 =	vld [tilespmem:s17+$0x12800];
	v15 =	vadd.f32 v24, v15  }
0x129: {  	[tilespmem:s17+$0x12420] =	vst v13;
	v13 =	vld [tilespmem:s17+$0x12810];
	v11 =	vadd.f32 v20, v11  }
0x12a: {  	v1 =	vld [tilespmem:s17+$0x7460];
	v12 =	vadd.f32 v21, v12;
	[tilespmem:s17+$0x12470] =	vst v15  }
0x12b: {  	[tilespmem:s17+$0x12430] =	vst v11;
	v11 =	vld [tilespmem:s17+$0x12820];
	v14 =	vadd.f32 v23, v14  }
0x12c: {  	v9 =	vadd.f32 v22, v9;
	[tilespmem:s17+$0x12440] =	vst v12;
	v12 =	vld [tilespmem:s17+$0x12830]  }
0x12d: {  	v15 =	vld [tilespmem:s17+$0x12870];
	[tilespmem:s17+$0x12460] =	vst v14;
	v10 =	vadd.f32 v25, v10  }
0x12e: {  	v13 =	vadd.f32 v26, v13;
	[tilespmem:s17+$0x12450] =	vst v9;
	v9 =	vld [tilespmem:s17+$0x12840]  }
0x12f: {  	v14 =	vld [tilespmem:s17+$0x12850];
	[tilespmem:s17+$0x12800] =	vst v10  }
0x130: {  	[tilespmem:s17+$0x12810] =	vst v13;
	v13 =	vld [tilespmem:s17+$0x12860];
	v10 =	vadd.f32 v27, v11  }
0x131: {  	v11 =	vld [tilespmem:s17+$0x12C00];
	v12 =	vadd.f32 v28, v12  }
0x132: {  	[tilespmem:s17+$0x12820] =	vst v10;
	v10 =	vld [tilespmem:s17+$0x12C10]  }
0x133: {  	v9 =	vadd.f32 v29, v9;
	[tilespmem:s17+$0x12830] =	vst v12;
	v12 =	vld [tilespmem:s17+$0x12C20]  }
0x134: {  	v0 =	vld [tilespmem:s17+$0x7470];
	v14 =	vadd.f32 v30, v14  }
0x135: {  	v13 =	vadd.f32 v31, v13;
	[tilespmem:s17+$0x12840] =	vst v9;
	v9 =	vld [tilespmem:s17+$0x12C30]  }
0x136: {  	[tilespmem:s17+$0x12850] =	vst v14;
	v14 =	vld [tilespmem:s17+$0x12C40];
	v11 =	vadd.f32 v33, v11  }
0x137: {  	v15 =	vadd.f32 v32, v15;
	[tilespmem:s17+$0x12860] =	vst v13;
	v13 =	vld [tilespmem:s17+$0x12C50]  }
0x138: {  	v10 =	vadd.f32 v34, v10;
	[tilespmem:s17+$0x12C00] =	vst v11;
	v11 =	vadd.f32 v35, v12;
	v12 =	vld [tilespmem:s17+$0x12C60]  }
0x139: {  	[tilespmem:s17+$0x12870] =	vst v15;
	v15 =	vld [tilespmem:s17+$0x12C70]  }
0x13a: {  	[tilespmem:s17+$0x12C10] =	vst v10;
	v10 =	vld [tilespmem:s17+$0x13000];
	v9 =	vadd.f32 v36, v9  }
0x13b: {  	v14 =	vadd.f32 v37, v14;
	[tilespmem:s17+$0x12C20] =	vst v11;
	v11 =	vld [tilespmem:s17+$0x13010]  }
0x13c: {  	v13 =	vadd.f32 v38, v13;
	[tilespmem:s17+$0x12C30] =	vst v9;
	v9 =	vld [tilespmem:s17+$0x13020]  }
0x13d: {  	[tilespmem:s17+$0x12C40] =	vst v14;
	v14 =	vld [tilespmem:s17+$0x13030];
	v12 =	vadd.f32 v39, v12  }
0x13e: {  	v16 =	vld [tilespmem:s17+$0x13040];
	[tilespmem:s17+$0x12C50] =	vst v13;
	v13 =	vadd.f32 v40, v15  }
0x13f: {  	v15 =	vld [tilespmem:s17+$0x13050];
	v10 =	vadd.f32 v41, v10;
	[tilespmem:s17+$0x12C60] =	vst v12  }
0x140: {  	v17 =	vld [tilespmem:s17+$0x13060];
	[tilespmem:s17+$0x12C70] =	vst v13;
	v11 =	vadd.f32 v42, v11  }
0x141: {  	v13 =	vld [tilespmem:s17+$0x13070];
	[tilespmem:s17+$0x13000] =	vst v10;
	v9 =	vadd.f32 v43, v9  }
0x142: {  	v12 =	vld [tilespmem:s17+$0x13400];
	v10 =	vadd.f32 v44, v14;
	[tilespmem:s17+$0x13010] =	vst v11  }
0x143: {  	v11 =	vld [tilespmem:s17+$0x13410];
	[tilespmem:s17+$0x13020] =	vst v9;
	v9 =	vadd.f32 v45, v16  }
0x144: {  	[tilespmem:s17+$0x13030] =	vst v10;
	v10 =	vld [tilespmem:s17+$0x13420];
	v15 =	vadd.f32 v46, v15  }
0x145: {  	s19 =	simm.s32 $0x1;
	v14 =	vadd.f32 v47, v17;
	[tilespmem:s17+$0x13040] =	vst v9;
	v9 =	vld [tilespmem:s17+$0x13430]  }
.LBB2_4:
0x146: {  	s20 =	sshrl.u32 s19, $0x3;
	p0 =	sne.s32 s19, $0x1F;
	[tilespmem:s17+$0x13050] =	vst v15;
	v8 =	vadd.f32 v8, v13;
	v13 =	vld [tilespmem:s17+$0x13440]  }
0x147: {  	s18 =	sadd.s32 $0x80, s18;
	s20 =	smul.u32 $0x1800, s20;
	[tilespmem:s17+$0x13060] =	vst v14;
	v7 =	vadd.f32 v7, v12;
	v12 =	vld [tilespmem:s17+$0x13450]  }
0x148: {  	s21 =	sand.u32 $0x380, s18;
	[tilespmem:s17+$0x13070] =	vst v8;
	v6 =	vadd.f32 v6, v11;
	v8 =	vld [tilespmem:s17+$0x13460]  }
0x149: {  	s20 =	sor.u32 s21, s20;
	[tilespmem:s17+$0x13400] =	vst v7;
	v5 =	vadd.f32 v5, v10;
	v7 =	vld [tilespmem:s17+$0x13470]  }
0x14a: {  	v36 =	vld [tilespmem:s20+$0x6000];
	[tilespmem:s17+$0x13410] =	vst v6;
	v4 =	vadd.f32 v4, v9  }
0x14b: {  	v37 =	vld [tilespmem:s20+$0x6010];
	[tilespmem:s17+$0x13420] =	vst v5;
	v3 =	vadd.f32 v3, v13  }
0x14c: {  	v38 =	vld [tilespmem:s20+$0x6020];
	[tilespmem:s17+$0x13430] =	vst v4;
	v2 =	vadd.f32 v2, v12  }
0x14d: {  	v39 =	vld [tilespmem:s20+$0x6030];
	[tilespmem:s17+$0x13440] =	vst v3;
	v1 =	vadd.f32 v1, v8  }
0x14e: {  	v40 =	vld [tilespmem:s20+$0x6040];
	[tilespmem:s17+$0x13450] =	vst v2;
	v0 =	vadd.f32 v0, v7  }
0x14f: {  	v41 =	vld [tilespmem:s20+$0x6050];
	[tilespmem:s17+$0x13460] =	vst v1  }
0x150: {  	v42 =	vld [tilespmem:s20+$0x6060];
	[tilespmem:s17+$0x13470] =	vst v0;
	s17 =	smov.u32 s20  }
0x151: {  	v43 =	vld [tilespmem:s17+$0x6070]  }
0x152: {  	v44 =	vld [tilespmem:s17+$0x6400]  }
0x153: {  	v45 =	vld [tilespmem:s17+$0x6410]  }
0x154: {  	v46 =	vld [tilespmem:s17+$0x6420]  }
0x155: {  	v47 =	vld [tilespmem:s17+$0x6430]  }
0x156: {  	v35 =	vld [tilespmem:s17+$0x6440]  }
0x157: {  	v34 =	vld [tilespmem:s17+$0x6450]  }
0x158: {  	v33 =	vld [tilespmem:s17+$0x6460]  }
0x159: {  	v32 =	vld [tilespmem:s17+$0x6470]  }
0x15a: {  	v31 =	vld [tilespmem:s17+$0x6800]  }
0x15b: {  	v30 =	vld [tilespmem:s17+$0x6810]  }
0x15c: {  	v29 =	vld [tilespmem:s17+$0x6820]  }
0x15d: {  	v28 =	vld [tilespmem:s17+$0x6830]  }
0x15e: {  	v27 =	vld [tilespmem:s17+$0x6840]  }
0x15f: {  	v26 =	vld [tilespmem:s17+$0x6850]  }
0x160: {  	v25 =	vld [tilespmem:s17+$0x6860]  }
0x161: {  	v24 =	vld [tilespmem:s17+$0x6870]  }
0x162: {  	v23 =	vld [tilespmem:s17+$0x6C00]  }
0x163: {  	v22 =	vld [tilespmem:s17+$0x6C10]  }
0x164: {  	v21 =	vld [tilespmem:s17+$0x6C20]  }
0x165: {  	v20 =	vld [tilespmem:s17+$0x6C30]  }
0x166: {  	v19 =	vld [tilespmem:s17+$0x6C40]  }
0x167: {  	v18 =	vld [tilespmem:s17+$0x6C50]  }
0x168: {  	v17 =	vld [tilespmem:s17+$0x6C60]  }
0x169: {  	v16 =	vld [tilespmem:s17+$0x6C70]  }
0x16a: {  	v15 =	vld [tilespmem:s17+$0x7000]  }
0x16b: {  	v14 =	vld [tilespmem:s17+$0x7010]  }
0x16c: {  	v13 =	vld [tilespmem:s17+$0x7020]  }
0x16d: {  	v12 =	vld [tilespmem:s17+$0x7030]  }
0x16e: {  	v11 =	vld [tilespmem:s17+$0x7040]  }
0x16f: {  	v10 =	vld [tilespmem:s17+$0x7050]  }
0x170: {  	v9 =	vld [tilespmem:s17+$0x7060]  }
0x171: {  	v8 =	vld [tilespmem:s17+$0x7070]  }
0x172: {  	v7 =	vld [tilespmem:s17+$0x7400]  }
0x173: {  	v6 =	vld [tilespmem:s17+$0x7410]  }
0x174: {  	v5 =	vld [tilespmem:s17+$0x7420]  }
0x175: {  	v4 =	vld [tilespmem:s17+$0x7430]  }
0x176: {  	v3 =	vld [tilespmem:s17+$0x7440]  }
0x177: {  	v2 =	vld [tilespmem:s17+$0x7450]  }
0x178: {  	v1 =	vld [tilespmem:s17+$0x7460]  }
0x179: {  	v0 =	vld [tilespmem:s17+$0x7470]  }
0x17a: {  	v48 =	vld [tilespmem:s17+$0x12000]  }
0x17b: {  	v49 =	vld [tilespmem:s17+$0x12010]  }
0x17c: {  	v50 =	vld [tilespmem:s17+$0x12020]  }
0x17d: {  	v51 =	vld [tilespmem:s17+$0x12030]  }
0x17e: {  	v52 =	vld [tilespmem:s17+$0x12040]  }
0x17f: {  	v36 =	vadd.f32 v36, v48;
	v48 =	vld [tilespmem:s17+$0x12050]  }
0x180: {  	v37 =	vadd.f32 v37, v49;
	v49 =	vld [tilespmem:s17+$0x12060]  }
0x181: {  	[tilespmem:s17+$0x12000] =	vst v36;
	v36 =	vadd.f32 v38, v50;
	v38 =	vld [tilespmem:s17+$0x12070]  }
0x182: {  	[tilespmem:s17+$0x12010] =	vst v37;
	v37 =	vadd.f32 v39, v51;
	v39 =	vld [tilespmem:s17+$0x12400]  }
0x183: {  	[tilespmem:s17+$0x12020] =	vst v36;
	v36 =	vadd.f32 v40, v52;
	v40 =	vld [tilespmem:s17+$0x12410]  }
0x184: {  	[tilespmem:s17+$0x12030] =	vst v37;
	v37 =	vadd.f32 v41, v48;
	v41 =	vld [tilespmem:s17+$0x12420]  }
0x185: {  	[tilespmem:s17+$0x12040] =	vst v36;
	v36 =	vadd.f32 v42, v49;
	v42 =	vld [tilespmem:s17+$0x12430]  }
0x186: {  	[tilespmem:s17+$0x12050] =	vst v37;
	v37 =	vadd.f32 v43, v38;
	v38 =	vld [tilespmem:s17+$0x12440]  }
0x187: {  	[tilespmem:s17+$0x12060] =	vst v36;
	v36 =	vadd.f32 v44, v39;
	v39 =	vld [tilespmem:s17+$0x12450]  }
0x188: {  	[tilespmem:s17+$0x12070] =	vst v37;
	v37 =	vadd.f32 v45, v40;
	v40 =	vld [tilespmem:s17+$0x12460]  }
0x189: {  	[tilespmem:s17+$0x12400] =	vst v36;
	v36 =	vadd.f32 v46, v41;
	v41 =	vld [tilespmem:s17+$0x12470]  }
0x18a: {  	[tilespmem:s17+$0x12410] =	vst v37;
	v37 =	vadd.f32 v47, v42;
	v42 =	vld [tilespmem:s17+$0x12800]  }
0x18b: {  	[tilespmem:s17+$0x12420] =	vst v36;
	v35 =	vadd.f32 v35, v38;
	v36 =	vld [tilespmem:s17+$0x12810]  }
0x18c: {  	[tilespmem:s17+$0x12430] =	vst v37;
	v34 =	vadd.f32 v34, v39;
	v37 =	vld [tilespmem:s17+$0x12820]  }
0x18d: {  	[tilespmem:s17+$0x12440] =	vst v35;
	v33 =	vadd.f32 v33, v40;
	v35 =	vld [tilespmem:s17+$0x12830]  }
0x18e: {  	[tilespmem:s17+$0x12450] =	vst v34;
	v32 =	vadd.f32 v32, v41;
	v34 =	vld [tilespmem:s17+$0x12840]  }
0x18f: {  	[tilespmem:s17+$0x12460] =	vst v33;
	v31 =	vadd.f32 v31, v42;
	v33 =	vld [tilespmem:s17+$0x12850]  }
0x190: {  	[tilespmem:s17+$0x12470] =	vst v32;
	v30 =	vadd.f32 v30, v36;
	v32 =	vld [tilespmem:s17+$0x12860]  }
0x191: {  	[tilespmem:s17+$0x12800] =	vst v31;
	v29 =	vadd.f32 v29, v37;
	v31 =	vld [tilespmem:s17+$0x12870]  }
0x192: {  	[tilespmem:s17+$0x12810] =	vst v30;
	v28 =	vadd.f32 v28, v35;
	v30 =	vld [tilespmem:s17+$0x12C00]  }
0x193: {  	[tilespmem:s17+$0x12820] =	vst v29;
	v27 =	vadd.f32 v27, v34;
	v29 =	vld [tilespmem:s17+$0x12C10]  }
0x194: {  	[tilespmem:s17+$0x12830] =	vst v28;
	v26 =	vadd.f32 v26, v33;
	v28 =	vld [tilespmem:s17+$0x12C20]  }
0x195: {  	[tilespmem:s17+$0x12840] =	vst v27;
	v25 =	vadd.f32 v25, v32;
	v27 =	vld [tilespmem:s17+$0x12C30]  }
0x196: {  	[tilespmem:s17+$0x12850] =	vst v26;
	v24 =	vadd.f32 v24, v31;
	v26 =	vld [tilespmem:s17+$0x12C40]  }
0x197: {  	[tilespmem:s17+$0x12860] =	vst v25;
	v23 =	vadd.f32 v23, v30;
	v25 =	vld [tilespmem:s17+$0x12C50]  }
0x198: {  	[tilespmem:s17+$0x12870] =	vst v24;
	v22 =	vadd.f32 v22, v29;
	v24 =	vld [tilespmem:s17+$0x12C60]  }
0x199: {  	[tilespmem:s17+$0x12C00] =	vst v23;
	v21 =	vadd.f32 v21, v28;
	v23 =	vld [tilespmem:s17+$0x12C70]  }
0x19a: {  	[tilespmem:s17+$0x12C10] =	vst v22;
	v20 =	vadd.f32 v20, v27;
	v22 =	vld [tilespmem:s17+$0x13000]  }
0x19b: {  	[tilespmem:s17+$0x12C20] =	vst v21;
	v19 =	vadd.f32 v19, v26;
	v21 =	vld [tilespmem:s17+$0x13010]  }
0x19c: {  	[tilespmem:s17+$0x12C30] =	vst v20;
	v18 =	vadd.f32 v18, v25;
	v20 =	vld [tilespmem:s17+$0x13020]  }
0x19d: {  	[tilespmem:s17+$0x12C40] =	vst v19;
	v17 =	vadd.f32 v17, v24;
	v19 =	vld [tilespmem:s17+$0x13030]  }
0x19e: {  	[tilespmem:s17+$0x12C50] =	vst v18;
	v16 =	vadd.f32 v16, v23;
	v18 =	vld [tilespmem:s17+$0x13040]  }
0x19f: {  	[tilespmem:s17+$0x12C60] =	vst v17;
	v15 =	vadd.f32 v15, v22;
	v17 =	vld [tilespmem:s17+$0x13050]  }
0x1a0: {  	[tilespmem:s17+$0x12C70] =	vst v16;
	v14 =	vadd.f32 v14, v21;
	v16 =	vld [tilespmem:s17+$0x13060]  }
.Ltmp1:
0x1a1: {  	[tilespmem:s17+$0x13000] =	vst v15;
	v15 =	vadd.f32 v13, v20;
	v13 =	vld [tilespmem:s17+$0x13070];
	(pc) =	sbr.rel @p0 .LBB2_4-.Ltmp1, $4  }
0x1a2: {  	[tilespmem:s17+$0x13010] =	vst v14;
	v14 =	vadd.f32 v12, v19;
	v12 =	vld [tilespmem:s17+$0x13400]  }
0x1a3: {  	[tilespmem:s17+$0x13020] =	vst v15;
	v18 =	vadd.f32 v11, v18;
	v11 =	vld [tilespmem:s17+$0x13410]  }
0x1a4: {  	[tilespmem:s17+$0x13030] =	vst v14;
	v15 =	vadd.f32 v10, v17;
	v10 =	vld [tilespmem:s17+$0x13420]  }
0x1a5: {  	s19 =	sadd.s32 $0x1, s19;
	[tilespmem:s17+$0x13040] =	vst v18;
	v14 =	vadd.f32 v9, v16;
	v9 =	vld [tilespmem:s17+$0x13430]  }
0x1a6: {  	[tilespmem:s17+$0x13050] =	vst v15;
	v60 =	vld [tilespmem:s17+$0x13440];
	v8 =	vadd.f32 v8, v13  }
0x1a7: {  	v61 =	vld [tilespmem:s17+$0x13450];
	[tilespmem:s17+$0x13060] =	vst v14;
	v7 =	vadd.f32 v7, v12  }
0x1a8: {  	v62 =	vld [tilespmem:s17+$0x13460];
	[tilespmem:s17+$0x13070] =	vst v8;
	v6 =	vadd.f32 v6, v11  }
0x1a9: {  	v63 =	vld [tilespmem:s17+$0x13470];
	[tilespmem:s17+$0x13400] =	vst v7;
	v5 =	vadd.f32 v5, v10  }
0x1aa: {  	[tilespmem:s17+$0x13410] =	vst v6;
	v4 =	vadd.f32 v4, v9  }
0x1ab: {  	[tilespmem:s17+$0x13420] =	vst v5;
	v3 =	vadd.f32 v3, v60  }
0x1ac: {  	v2 =	vadd.f32 v2, v61;
	[tilespmem:s17+$0x13430] =	vst v4  }
0x1ad: {  	v1 =	vadd.f32 v1, v62;
	[tilespmem:s17+$0x13440] =	vst v3  }
0x1ae: {  	s16 =	sadd.s32 $0x1, s16;
	v0 =	vadd.f32 v0, v63;
	[tilespmem:s17+$0x13450] =	vst v2  }
0x1af: {  	p0 =	sne.s32 s16, s9;
	[tilespmem:s17+$0x13460] =	vst v1  }
.Ltmp2:
0x1b0: {  	[tilespmem:s17+$0x13470] =	vst v0;
	(pc) =	sbr.rel @p0 .LBB2_1-.Ltmp2, $4  }
0x1b1: {  	[hbm4b:s8+s2] =	stream.linear.scatter [tilespmem:s13], [sflag:$0x3], $0x6000, $0x38;
	[tilespmem:$0x18000] =	vst v63  }
0x1b2: {  	_ =	swait.ge [sflag:s10], $0x6000  }
0x1b3: {  	[sflag:s10] =	ssyncset.done $0x0  }
0x1b4: {  	[sflag:s10] =	ssyncadd.s32 $0xFFFFA000  }
0x1b5: {  	_ =	sfence.sel $0x180000  }
0x1b6: {  	[bflag:$0x0] =	sbarrier.arrive $0xFFFF  }
0x1b7: {  	p0 =	sne.s32 s0, $0x0;
	_ =	strace $0x90000047  }
0x1b8: {  	s0 =	sadd.s32 @!p0 $0x100000, s1;
	[bflag:$0x2] =	sbarrier.arrive $0xFFFF  }
0x1b9: {  	[sflag:s0] =	ssyncadd.tile.s32 @!p0 $0x1;
	_ =	shalt  }
.Lfunc_end2:
_tile_overlayer_lowered:
.L_overlay_start_2:
0x1ba: {  	(tag) =	ssettag $0x2  }
0x1bb: {  	s0 =	rddreg [dreg:$0x0];
	s2 =	stileid.u32  }
0x1bc: {  	s1 =	rddreg [dreg:$0x1];
	p0 =	sne.s32 s2, $0x0  }
0x1bd: {  	s3 =	rddreg [dreg:$0x2];
	[bflag:$0x3] =	sbarrier.arrive $0xFFFF;
	s2 =	simm.s32 @!p0 $0x1C03  }
0x1be: {  	[timem:s3], [sflag:s2] =	dma.local @!p0 [hbm:s0], s1  }
0x1bf: {  	s0 =	simm.s32 @!p0 $0x3  }
0x1c0: {  	_ =	swait.ge @!p0 [sflag:s0], s1  }
0x1c1: {  	s1 =	ssub.s32 @!p0 $0x0, s1;
	[sflag:s0] =	ssyncset.done @!p0 $0x0  }
0x1c2: {  	[sflag:s0] =	ssyncadd.s32 @!p0 s1  }
0x1c3: {  	[bflag:$0x3] =	sbarrier.arrive $0xFFFF  }
0x1c4: {  	_ =	shalt  }

</sc_bundles>
